<compile_context>
chip_gen: v7x
topology: tpu7x:2x2x1
jax: 0.10.2.dev20260603
libtpu: 0.0.44.dev20260713+nightly
codegen_flags: <defaults>
</compile_context>

<pallas_src>
import functools

import jax
import jax.numpy as jnp
from jax import lax
from jax.experimental import pallas as pl
from jax.experimental.pallas import tpu as pltpu
from jax.experimental.pallas import tpu_sc as plsc

D = 64
T = 200
B = 4096
N = B * T
NW = 32
RPW = N // NW
CH = 128
NCH = RPW // CH
NBUF = 4
LA = 3

_mesh = plsc.VectorSubcoreMesh(core_axis_name="c", subcore_axis_name="s")


@functools.partial(
    pl.kernel,
    mesh=_mesh,
    out_type=jax.ShapeDtypeStruct((N, 2 * D), jnp.float32),
    compiler_params=pltpu.CompilerParams(use_tc_tiling_on_sc=False),
    scratch_types=[
        pltpu.VMEM((NCH, CH), jnp.int32),
        pltpu.VMEM((NCH, CH), jnp.int32),
        pltpu.VMEM_SHARED((2 * T, D), jnp.float32),
        [pltpu.VMEM((CH, D), jnp.float32)] * NBUF,
        [pltpu.SemaphoreType.DMA] * NBUF,
        [pltpu.SemaphoreType.DMA] * NBUF,
        [pltpu.SemaphoreType.DMA] * NBUF,
    ],
)
def _embed_sc(skills_hbm, hardness_hbm, pos_hbm, skill_emb_hbm, hard_emb_hbm,
              out_hbm, idx_s, idx_h, pos_sh, bufs, sem_s, sem_h, sem_o):
    sid = lax.axis_index("s")
    wid = sid * 2 + lax.axis_index("c")
    row0 = wid * RPW

    pltpu.sync_copy(skills_hbm.at[pl.ds(wid * NCH, NCH)], idx_s)
    pltpu.sync_copy(hardness_hbm.at[pl.ds(wid * NCH, NCH)], idx_h)

    @pl.when(sid == 0)
    def _():
        pltpu.sync_copy(pos_hbm, pos_sh.at[pl.ds(0, T)])
        pltpu.sync_copy(pos_hbm, pos_sh.at[pl.ds(T, T)])

    plsc.subcore_barrier()

    def init_and_gather(c, b):
        t0 = lax.rem(c * CH, T)
        pltpu.sync_copy(pos_sh.at[pl.ds(t0, CH)], bufs[b])
        pltpu.async_copy(skill_emb_hbm.at[idx_s.at[c]], bufs[b], sem_s[b],
                         add=True)
        pltpu.async_copy(hard_emb_hbm.at[idx_h.at[c]], bufs[b], sem_h[b],
                         add=True)

    for k in range(LA):
        init_and_gather(k, k)

    def body(g, carry):
        for b in range(NBUF):
            c = g * NBUF + b
            bn = (b + LA) % NBUF

            @pl.when(c + LA - NBUF >= 0)
            def _():
                pltpu.make_async_copy(
                    bufs[bn], out_hbm.at[pl.ds(row0, CH), pl.ds(0, D)], sem_o[bn]).wait()

            @pl.when(c + LA < NCH)
            def _():
                init_and_gather(c + LA, bn)

            pltpu.make_async_copy(
                skill_emb_hbm.at[idx_s.at[c]], bufs[b], sem_s[b]).wait()
            pltpu.make_async_copy(
                hard_emb_hbm.at[idx_h.at[c]], bufs[b], sem_h[b]).wait()
            pltpu.async_copy(
                bufs[b], out_hbm.at[pl.ds(row0 + c * CH, CH), pl.ds(0, D)], sem_o[b])
        return carry

    lax.fori_loop(0, NCH // NBUF, body, 0)

    bl = (NCH - 1) % NBUF
    pltpu.make_async_copy(bufs[bl], out_hbm.at[pl.ds(row0, CH), pl.ds(0, D)],
                          sem_o[bl]).wait()


def kernel(skills, hardness, position_embed, skill_embed, hardness_embed):
    skills_r = skills.reshape(N // CH, CH).astype(jnp.int32)
    hardness_r = hardness.reshape(N // CH, CH).astype(jnp.int32)
    out = _embed_sc(skills_r, hardness_r, position_embed, skill_embed,
                    hardness_embed)
    return out[:, :D].reshape(B, T, D)

# --- scband reference (transcript-rebuilt; emitter-appended) ---
"""Pipeline reference for scband-synencoder-embedding-77137612636433 (READ-ONLY COPY).

The authoritative reference and input builder live on the scoring server;
editing this copy changes nothing except your own understanding.
"""

import jax, jax.numpy as jnp
import numpy as np

SKILL_N = 1000000
HARDALL_N = 100000
N_DIMS = 64
SEQ_LEN = 200
BATCH = 4096

def setup_inputs(seed: int = 0) -> dict:
    key = jax.random.key(seed)
    k1, k2, k3, k4, k5 = jax.random.split(key, 5)
    skills = jax.random.randint(k1, (BATCH, SEQ_LEN), 0, SKILL_N, dtype=jnp.int32).astype(jnp.int64) if False else jax.random.randint(k1, (BATCH, SEQ_LEN), 0, SKILL_N)
    hardness = jax.random.randint(k2, (BATCH, SEQ_LEN), 0, HARDALL_N)
    position_embed = jax.random.normal(k3, (SEQ_LEN, N_DIMS), dtype=jnp.float32)
    skill_embed = jax.random.normal(k4, (SKILL_N, N_DIMS), dtype=jnp.float32)
    hardness_embed = jax.random.normal(k5, (HARDALL_N, N_DIMS), dtype=jnp.float32)
    return {
        "skills": skills,
        "hardness": hardness,
        "position_embed": position_embed,
        "skill_embed": skill_embed,
        "hardness_embed": hardness_embed,
    }

def reference(skills, hardness, position_embed, skill_embed, hardness_embed):
    seq = jnp.arange(SEQ_LEN)[None, :]  # [1, seq_len]
    p = jnp.take(position_embed, seq, axis=0)      # [1, seq_len, n_dims]
    s = jnp.take(skill_embed, skills, axis=0)      # [B, seq_len, n_dims]
    h = jnp.take(hardness_embed, hardness, axis=0) # [B, seq_len, n_dims]
    return p + s + h

if __name__ == "__main__":
    import jax
    _d = setup_inputs()
    print(jax.jit(kernel)(*tuple(_d.values())))

</pallas_src>

<mosaic_0001>
#map = affine_map<(d0, d1) -> (0, 0)>
module attributes {stable_mosaic.version = 14 : i64} {
  func.func @_embed_sc(%arg0: i32, %arg1: i32, %arg2: memref<6400x128xi32, #tpu.memory_space<hbm>>, %arg3: memref<6400x128xi32, #tpu.memory_space<hbm>>, %arg4: memref<200x64xf32, #tpu.memory_space<hbm>>, %arg5: memref<1000000x64xf32, #tpu.memory_space<hbm>>, %arg6: memref<100000x64xf32, #tpu.memory_space<hbm>>, %arg7: memref<819200x128xf32, #tpu.memory_space<hbm>>, %arg8: memref<200x128xi32, #tpu.memory_space<vmem>>, %arg9: memref<200x128xi32, #tpu.memory_space<vmem>>, %arg10: memref<400x64xf32, #tpu.memory_space<vmem_shared>>, %arg11: memref<128x64xf32, #tpu.memory_space<vmem>>, %arg12: memref<128x64xf32, #tpu.memory_space<vmem>>, %arg13: memref<128x64xf32, #tpu.memory_space<vmem>>, %arg14: memref<128x64xf32, #tpu.memory_space<vmem>>, %arg15: memref<!tpu.dma_semaphore, #tpu.memory_space<semaphore_mem>>, %arg16: memref<!tpu.dma_semaphore, #tpu.memory_space<semaphore_mem>>, %arg17: memref<!tpu.dma_semaphore, #tpu.memory_space<semaphore_mem>>, %arg18: memref<!tpu.dma_semaphore, #tpu.memory_space<semaphore_mem>>, %arg19: memref<!tpu.dma_semaphore, #tpu.memory_space<semaphore_mem>>, %arg20: memref<!tpu.dma_semaphore, #tpu.memory_space<semaphore_mem>>, %arg21: memref<!tpu.dma_semaphore, #tpu.memory_space<semaphore_mem>>, %arg22: memref<!tpu.dma_semaphore, #tpu.memory_space<semaphore_mem>>, %arg23: memref<!tpu.dma_semaphore, #tpu.memory_space<semaphore_mem>>, %arg24: memref<!tpu.dma_semaphore, #tpu.memory_space<semaphore_mem>>, %arg25: memref<!tpu.dma_semaphore, #tpu.memory_space<semaphore_mem>>, %arg26: memref<!tpu.dma_semaphore, #tpu.memory_space<semaphore_mem>>) attributes {dimension_semantics = [#tpu.dimension_semantics<core_parallel>, #tpu.dimension_semantics<subcore_parallel>], iteration_bounds = array<i64: 2, 16>, scalar_prefetch = 0 : i64, scratch_operands = 19 : i64, tpu.core_type = #tpu.core_type<sc_vector_subcore>, window_params = [{transform_indices = #map}, {transform_indices = #map}, {transform_indices = #map}, {transform_indices = #map}, {transform_indices = #map}, {transform_indices = #map}]} {
    %mul3A = arith.constant 2 : i32
    %mul3A_0 = arith.muli %arg1, %mul3A : i32
    %add3A = arith.addi %mul3A_0, %arg0 : i32
    %mul3A_1 = arith.constant 25600 : i32
    %mul3A_2 = arith.muli %add3A, %mul3A_1 : i32
    %mul3A_3 = arith.constant 200 : i32
    %mul3A_4 = arith.muli %add3A, %mul3A_3 : i32
    "tpu.region"() ({
      %run_scoped3A = tpu.sem_alloc : memref<!tpu.dma_semaphore, #tpu.memory_space<semaphore_mem>>
      %dma_start3A_66 = arith.constant 0 : i32
      %dma_start3A_67 = tpu.memref_slice %arg2[%mul3A_4, %dma_start3A_66] : memref<6400x128xi32, #tpu.memory_space<hbm>> -> memref<200x128xi32, #tpu.memory_space<hbm>>
      %dma_start3A_68 = arith.constant 0 : i32
      %dma_start3A_69 = tpu.memref_slice %arg2[%mul3A_4, %dma_start3A_68] : memref<6400x128xi32, #tpu.memory_space<hbm>> -> memref<200x128xi32, #tpu.memory_space<hbm>>
      tpu.enqueue_dma source(%dma_start3A_69 : memref<200x128xi32, #tpu.memory_space<hbm>>) target(%arg8 : memref<200x128xi32, #tpu.memory_space<vmem>>) target_semaphore(%run_scoped3A : memref<!tpu.dma_semaphore, #tpu.memory_space<semaphore_mem>>)
      %dma_wait3A_70 = arith.constant 0 : i32
      %dma_wait3A_71 = tpu.memref_slice %arg2[%mul3A_4, %dma_wait3A_70] : memref<6400x128xi32, #tpu.memory_space<hbm>> -> memref<200x128xi32, #tpu.memory_space<hbm>>
      %dma_wait3A_72 = arith.constant 0 : i32
      %dma_wait3A_73 = tpu.memref_slice %arg2[%mul3A_4, %dma_wait3A_72] : memref<6400x128xi32, #tpu.memory_space<hbm>> -> memref<200x128xi32, #tpu.memory_space<hbm>>
      tpu.wait_dma2 semaphore(%run_scoped3A : memref<!tpu.dma_semaphore, #tpu.memory_space<semaphore_mem>>) src(%dma_wait3A_73 : memref<200x128xi32, #tpu.memory_space<hbm>>) dst(%arg8 : memref<200x128xi32, #tpu.memory_space<vmem>>)
      tpu.yield
    }) : () -> ()
    %mul3A_5 = arith.constant 200 : i32
    %mul3A_6 = arith.muli %add3A, %mul3A_5 : i32
    "tpu.region"() ({
      %run_scoped3A = tpu.sem_alloc : memref<!tpu.dma_semaphore, #tpu.memory_space<semaphore_mem>>
      %dma_start3A_66 = arith.constant 0 : i32
      %dma_start3A_67 = tpu.memref_slice %arg3[%mul3A_6, %dma_start3A_66] : memref<6400x128xi32, #tpu.memory_space<hbm>> -> memref<200x128xi32, #tpu.memory_space<hbm>>
      %dma_start3A_68 = arith.constant 0 : i32
      %dma_start3A_69 = tpu.memref_slice %arg3[%mul3A_6, %dma_start3A_68] : memref<6400x128xi32, #tpu.memory_space<hbm>> -> memref<200x128xi32, #tpu.memory_space<hbm>>
      tpu.enqueue_dma source(%dma_start3A_69 : memref<200x128xi32, #tpu.memory_space<hbm>>) target(%arg9 : memref<200x128xi32, #tpu.memory_space<vmem>>) target_semaphore(%run_scoped3A : memref<!tpu.dma_semaphore, #tpu.memory_space<semaphore_mem>>)
      %dma_wait3A_70 = arith.constant 0 : i32
      %dma_wait3A_71 = tpu.memref_slice %arg3[%mul3A_6, %dma_wait3A_70] : memref<6400x128xi32, #tpu.memory_space<hbm>> -> memref<200x128xi32, #tpu.memory_space<hbm>>
      %dma_wait3A_72 = arith.constant 0 : i32
      %dma_wait3A_73 = tpu.memref_slice %arg3[%mul3A_6, %dma_wait3A_72] : memref<6400x128xi32, #tpu.memory_space<hbm>> -> memref<200x128xi32, #tpu.memory_space<hbm>>
      tpu.wait_dma2 semaphore(%run_scoped3A : memref<!tpu.dma_semaphore, #tpu.memory_space<semaphore_mem>>) src(%dma_wait3A_73 : memref<200x128xi32, #tpu.memory_space<hbm>>) dst(%arg9 : memref<200x128xi32, #tpu.memory_space<vmem>>)
      tpu.yield
    }) : () -> ()
    %eq3A = arith.constant 0 : i32
    %eq3A_7 = arith.cmpi eq, %arg1, %eq3A : i32
    %convert_element_type3A = arith.extui %eq3A_7 : i1 to i32
    %cond3A = arith.constant 0 : i32
    %cond3A_8 = arith.cmpi ne, %convert_element_type3A, %cond3A : i32
    scf.if %cond3A_8 {
      "tpu.region"() ({
        %run_scoped3A = tpu.sem_alloc : memref<!tpu.dma_semaphore, #tpu.memory_space<semaphore_mem>>
        %dma_start3A_66 = arith.constant 0 : i32
        %dma_start3A_67 = arith.constant 0 : i32
        %dma_start3A_68 = tpu.memref_slice %arg10[%dma_start3A_66, %dma_start3A_67] : memref<400x64xf32, #tpu.memory_space<vmem_shared>> -> memref<200x64xf32, #tpu.memory_space<vmem_shared>>
        tpu.enqueue_dma source(%arg4 : memref<200x64xf32, #tpu.memory_space<hbm>>) target(%dma_start3A_68 : memref<200x64xf32, #tpu.memory_space<vmem_shared>>) target_semaphore(%run_scoped3A : memref<!tpu.dma_semaphore, #tpu.memory_space<semaphore_mem>>)
        %dma_wait3A_69 = arith.constant 0 : i32
        %dma_wait3A_70 = arith.constant 0 : i32
        %dma_wait3A_71 = tpu.memref_slice %arg10[%dma_wait3A_69, %dma_wait3A_70] : memref<400x64xf32, #tpu.memory_space<vmem_shared>> -> memref<200x64xf32, #tpu.memory_space<vmem_shared>>
        tpu.wait_dma2 semaphore(%run_scoped3A : memref<!tpu.dma_semaphore, #tpu.memory_space<semaphore_mem>>) src(%arg4 : memref<200x64xf32, #tpu.memory_space<hbm>>) dst(%dma_wait3A_71 : memref<200x64xf32, #tpu.memory_space<vmem_shared>>)
        tpu.yield
      }) : () -> ()
      "tpu.region"() ({
        %run_scoped3A = tpu.sem_alloc : memref<!tpu.dma_semaphore, #tpu.memory_space<semaphore_mem>>
        %dma_start3A_66 = arith.constant 200 : i32
        %dma_start3A_67 = arith.constant 0 : i32
        %dma_start3A_68 = tpu.memref_slice %arg10[%dma_start3A_66, %dma_start3A_67] : memref<400x64xf32, #tpu.memory_space<vmem_shared>> -> memref<200x64xf32, #tpu.memory_space<vmem_shared>>
        tpu.enqueue_dma source(%arg4 : memref<200x64xf32, #tpu.memory_space<hbm>>) target(%dma_start3A_68 : memref<200x64xf32, #tpu.memory_space<vmem_shared>>) target_semaphore(%run_scoped3A : memref<!tpu.dma_semaphore, #tpu.memory_space<semaphore_mem>>)
        %dma_wait3A_69 = arith.constant 200 : i32
        %dma_wait3A_70 = arith.constant 0 : i32
        %dma_wait3A_71 = tpu.memref_slice %arg10[%dma_wait3A_69, %dma_wait3A_70] : memref<400x64xf32, #tpu.memory_space<vmem_shared>> -> memref<200x64xf32, #tpu.memory_space<vmem_shared>>
        tpu.wait_dma2 semaphore(%run_scoped3A : memref<!tpu.dma_semaphore, #tpu.memory_space<semaphore_mem>>) src(%arg4 : memref<200x64xf32, #tpu.memory_space<hbm>>) dst(%dma_wait3A_71 : memref<200x64xf32, #tpu.memory_space<vmem_shared>>)
        tpu.yield
      }) : () -> ()
    } else {
    }
    %barrier3A = arith.constant 0 : index
    tpu.barrier barrier_id(%barrier3A)
    %rem3A = arith.constant 0 : i32
    %rem3A_9 = arith.constant 200 : i32
    %rem3A_10 = arith.remsi %rem3A, %rem3A_9 : i32
    "tpu.region"() ({
      %run_scoped3A = tpu.sem_alloc : memref<!tpu.dma_semaphore, #tpu.memory_space<semaphore_mem>>
      %dma_start3A_66 = arith.constant 0 : i32
      %dma_start3A_67 = tpu.memref_slice %arg10[%rem3A_10, %dma_start3A_66] : memref<400x64xf32, #tpu.memory_space<vmem_shared>> -> memref<128x64xf32, #tpu.memory_space<vmem_shared>>
      %dma_start3A_68 = arith.constant 0 : i32
      %dma_start3A_69 = tpu.memref_slice %arg10[%rem3A_10, %dma_start3A_68] : memref<400x64xf32, #tpu.memory_space<vmem_shared>> -> memref<128x64xf32, #tpu.memory_space<vmem_shared>>
      tpu.enqueue_dma source(%dma_start3A_69 : memref<128x64xf32, #tpu.memory_space<vmem_shared>>) target(%arg11 : memref<128x64xf32, #tpu.memory_space<vmem>>) target_semaphore(%run_scoped3A : memref<!tpu.dma_semaphore, #tpu.memory_space<semaphore_mem>>)
      %dma_wait3A_70 = arith.constant 0 : i32
      %dma_wait3A_71 = tpu.memref_slice %arg10[%rem3A_10, %dma_wait3A_70] : memref<400x64xf32, #tpu.memory_space<vmem_shared>> -> memref<128x64xf32, #tpu.memory_space<vmem_shared>>
      %dma_wait3A_72 = arith.constant 0 : i32
      %dma_wait3A_73 = tpu.memref_slice %arg10[%rem3A_10, %dma_wait3A_72] : memref<400x64xf32, #tpu.memory_space<vmem_shared>> -> memref<128x64xf32, #tpu.memory_space<vmem_shared>>
      tpu.wait_dma2 semaphore(%run_scoped3A : memref<!tpu.dma_semaphore, #tpu.memory_space<semaphore_mem>>) src(%dma_wait3A_73 : memref<128x64xf32, #tpu.memory_space<vmem_shared>>) dst(%arg11 : memref<128x64xf32, #tpu.memory_space<vmem>>)
      tpu.yield
    }) : () -> ()
    %dma_start3A = arith.constant 0 : i32
    %dma_start3A_11 = arith.constant 0 : i32
    %dma_start3A_12 = tpu.memref_slice %arg8[%dma_start3A, %dma_start3A_11] : memref<200x128xi32, #tpu.memory_space<vmem>> -> memref<1x128xi32, #tpu.memory_space<vmem>>
    %dma_start3A_13 = tpu.memref_squeeze %dma_start3A_12 : memref<1x128xi32, #tpu.memory_space<vmem>> -> memref<128xi32, #tpu.memory_space<vmem>>
    %dma_start3A_14 = arith.constant 0 : i32
    %dma_start3A_15 = arith.constant 0 : i32
    %dma_start3A_16 = tpu.memref_slice %arg5[%dma_start3A_14, %dma_start3A_15] : memref<1000000x64xf32, #tpu.memory_space<hbm>> -> memref<1000000x64xf32, #tpu.memory_space<hbm>>
    tpu.enqueue_indirect_dma source(%dma_start3A_16 : memref<1000000x64xf32, #tpu.memory_space<hbm>>) target(%arg11 : memref<128x64xf32, #tpu.memory_space<vmem>>) offsets(%dma_start3A_13 : memref<128xi32, #tpu.memory_space<vmem>>) semaphore(%arg15 : memref<!tpu.dma_semaphore, #tpu.memory_space<semaphore_mem>>) {add = true}
    %dma_start3A_17 = arith.constant 0 : i32
    %dma_start3A_18 = arith.constant 0 : i32
    %dma_start3A_19 = tpu.memref_slice %arg9[%dma_start3A_17, %dma_start3A_18] : memref<200x128xi32, #tpu.memory_space<vmem>> -> memref<1x128xi32, #tpu.memory_space<vmem>>
    %dma_start3A_20 = tpu.memref_squeeze %dma_start3A_19 : memref<1x128xi32, #tpu.memory_space<vmem>> -> memref<128xi32, #tpu.memory_space<vmem>>
    %dma_start3A_21 = arith.constant 0 : i32
    %dma_start3A_22 = arith.constant 0 : i32
    %dma_start3A_23 = tpu.memref_slice %arg6[%dma_start3A_21, %dma_start3A_22] : memref<100000x64xf32, #tpu.memory_space<hbm>> -> memref<100000x64xf32, #tpu.memory_space<hbm>>
    tpu.enqueue_indirect_dma source(%dma_start3A_23 : memref<100000x64xf32, #tpu.memory_space<hbm>>) target(%arg11 : memref<128x64xf32, #tpu.memory_space<vmem>>) offsets(%dma_start3A_20 : memref<128xi32, #tpu.memory_space<vmem>>) semaphore(%arg19 : memref<!tpu.dma_semaphore, #tpu.memory_space<semaphore_mem>>) {add = true}
    %rem3A_24 = arith.constant 128 : i32
    %rem3A_25 = arith.constant 200 : i32
    %rem3A_26 = arith.remsi %rem3A_24, %rem3A_25 : i32
    "tpu.region"() ({
      %run_scoped3A = tpu.sem_alloc : memref<!tpu.dma_semaphore, #tpu.memory_space<semaphore_mem>>
      %dma_start3A_66 = arith.constant 0 : i32
      %dma_start3A_67 = tpu.memref_slice %arg10[%rem3A_26, %dma_start3A_66] : memref<400x64xf32, #tpu.memory_space<vmem_shared>> -> memref<128x64xf32, #tpu.memory_space<vmem_shared>>
      %dma_start3A_68 = arith.constant 0 : i32
      %dma_start3A_69 = tpu.memref_slice %arg10[%rem3A_26, %dma_start3A_68] : memref<400x64xf32, #tpu.memory_space<vmem_shared>> -> memref<128x64xf32, #tpu.memory_space<vmem_shared>>
      tpu.enqueue_dma source(%dma_start3A_69 : memref<128x64xf32, #tpu.memory_space<vmem_shared>>) target(%arg12 : memref<128x64xf32, #tpu.memory_space<vmem>>) target_semaphore(%run_scoped3A : memref<!tpu.dma_semaphore, #tpu.memory_space<semaphore_mem>>)
      %dma_wait3A_70 = arith.constant 0 : i32
      %dma_wait3A_71 = tpu.memref_slice %arg10[%rem3A_26, %dma_wait3A_70] : memref<400x64xf32, #tpu.memory_space<vmem_shared>> -> memref<128x64xf32, #tpu.memory_space<vmem_shared>>
      %dma_wait3A_72 = arith.constant 0 : i32
      %dma_wait3A_73 = tpu.memref_slice %arg10[%rem3A_26, %dma_wait3A_72] : memref<400x64xf32, #tpu.memory_space<vmem_shared>> -> memref<128x64xf32, #tpu.memory_space<vmem_shared>>
      tpu.wait_dma2 semaphore(%run_scoped3A : memref<!tpu.dma_semaphore, #tpu.memory_space<semaphore_mem>>) src(%dma_wait3A_73 : memref<128x64xf32, #tpu.memory_space<vmem_shared>>) dst(%arg12 : memref<128x64xf32, #tpu.memory_space<vmem>>)
      tpu.yield
    }) : () -> ()
    %dma_start3A_27 = arith.constant 1 : i32
    %dma_start3A_28 = arith.constant 0 : i32
    %dma_start3A_29 = tpu.memref_slice %arg8[%dma_start3A_27, %dma_start3A_28] : memref<200x128xi32, #tpu.memory_space<vmem>> -> memref<1x128xi32, #tpu.memory_space<vmem>>
    %dma_start3A_30 = tpu.memref_squeeze %dma_start3A_29 : memref<1x128xi32, #tpu.memory_space<vmem>> -> memref<128xi32, #tpu.memory_space<vmem>>
    %dma_start3A_31 = arith.constant 0 : i32
    %dma_start3A_32 = arith.constant 0 : i32
    %dma_start3A_33 = tpu.memref_slice %arg5[%dma_start3A_31, %dma_start3A_32] : memref<1000000x64xf32, #tpu.memory_space<hbm>> -> memref<1000000x64xf32, #tpu.memory_space<hbm>>
    tpu.enqueue_indirect_dma source(%dma_start3A_33 : memref<1000000x64xf32, #tpu.memory_space<hbm>>) target(%arg12 : memref<128x64xf32, #tpu.memory_space<vmem>>) offsets(%dma_start3A_30 : memref<128xi32, #tpu.memory_space<vmem>>) semaphore(%arg16 : memref<!tpu.dma_semaphore, #tpu.memory_space<semaphore_mem>>) {add = true}
    %dma_start3A_34 = arith.constant 1 : i32
    %dma_start3A_35 = arith.constant 0 : i32
    %dma_start3A_36 = tpu.memref_slice %arg9[%dma_start3A_34, %dma_start3A_35] : memref<200x128xi32, #tpu.memory_space<vmem>> -> memref<1x128xi32, #tpu.memory_space<vmem>>
    %dma_start3A_37 = tpu.memref_squeeze %dma_start3A_36 : memref<1x128xi32, #tpu.memory_space<vmem>> -> memref<128xi32, #tpu.memory_space<vmem>>
    %dma_start3A_38 = arith.constant 0 : i32
    %dma_start3A_39 = arith.constant 0 : i32
    %dma_start3A_40 = tpu.memref_slice %arg6[%dma_start3A_38, %dma_start3A_39] : memref<100000x64xf32, #tpu.memory_space<hbm>> -> memref<100000x64xf32, #tpu.memory_space<hbm>>
    tpu.enqueue_indirect_dma source(%dma_start3A_40 : memref<100000x64xf32, #tpu.memory_space<hbm>>) target(%arg12 : memref<128x64xf32, #tpu.memory_space<vmem>>) offsets(%dma_start3A_37 : memref<128xi32, #tpu.memory_space<vmem>>) semaphore(%arg20 : memref<!tpu.dma_semaphore, #tpu.memory_space<semaphore_mem>>) {add = true}
    %rem3A_41 = arith.constant 256 : i32
    %rem3A_42 = arith.constant 200 : i32
    %rem3A_43 = arith.remsi %rem3A_41, %rem3A_42 : i32
    "tpu.region"() ({
      %run_scoped3A = tpu.sem_alloc : memref<!tpu.dma_semaphore, #tpu.memory_space<semaphore_mem>>
      %dma_start3A_66 = arith.constant 0 : i32
      %dma_start3A_67 = tpu.memref_slice %arg10[%rem3A_43, %dma_start3A_66] : memref<400x64xf32, #tpu.memory_space<vmem_shared>> -> memref<128x64xf32, #tpu.memory_space<vmem_shared>>
      %dma_start3A_68 = arith.constant 0 : i32
      %dma_start3A_69 = tpu.memref_slice %arg10[%rem3A_43, %dma_start3A_68] : memref<400x64xf32, #tpu.memory_space<vmem_shared>> -> memref<128x64xf32, #tpu.memory_space<vmem_shared>>
      tpu.enqueue_dma source(%dma_start3A_69 : memref<128x64xf32, #tpu.memory_space<vmem_shared>>) target(%arg13 : memref<128x64xf32, #tpu.memory_space<vmem>>) target_semaphore(%run_scoped3A : memref<!tpu.dma_semaphore, #tpu.memory_space<semaphore_mem>>)
      %dma_wait3A_70 = arith.constant 0 : i32
      %dma_wait3A_71 = tpu.memref_slice %arg10[%rem3A_43, %dma_wait3A_70] : memref<400x64xf32, #tpu.memory_space<vmem_shared>> -> memref<128x64xf32, #tpu.memory_space<vmem_shared>>
      %dma_wait3A_72 = arith.constant 0 : i32
      %dma_wait3A_73 = tpu.memref_slice %arg10[%rem3A_43, %dma_wait3A_72] : memref<400x64xf32, #tpu.memory_space<vmem_shared>> -> memref<128x64xf32, #tpu.memory_space<vmem_shared>>
      tpu.wait_dma2 semaphore(%run_scoped3A : memref<!tpu.dma_semaphore, #tpu.memory_space<semaphore_mem>>) src(%dma_wait3A_73 : memref<128x64xf32, #tpu.memory_space<vmem_shared>>) dst(%arg13 : memref<128x64xf32, #tpu.memory_space<vmem>>)
      tpu.yield
    }) : () -> ()
    %dma_start3A_44 = arith.constant 2 : i32
    %dma_start3A_45 = arith.constant 0 : i32
    %dma_start3A_46 = tpu.memref_slice %arg8[%dma_start3A_44, %dma_start3A_45] : memref<200x128xi32, #tpu.memory_space<vmem>> -> memref<1x128xi32, #tpu.memory_space<vmem>>
    %dma_start3A_47 = tpu.memref_squeeze %dma_start3A_46 : memref<1x128xi32, #tpu.memory_space<vmem>> -> memref<128xi32, #tpu.memory_space<vmem>>
    %dma_start3A_48 = arith.constant 0 : i32
    %dma_start3A_49 = arith.constant 0 : i32
    %dma_start3A_50 = tpu.memref_slice %arg5[%dma_start3A_48, %dma_start3A_49] : memref<1000000x64xf32, #tpu.memory_space<hbm>> -> memref<1000000x64xf32, #tpu.memory_space<hbm>>
    tpu.enqueue_indirect_dma source(%dma_start3A_50 : memref<1000000x64xf32, #tpu.memory_space<hbm>>) target(%arg13 : memref<128x64xf32, #tpu.memory_space<vmem>>) offsets(%dma_start3A_47 : memref<128xi32, #tpu.memory_space<vmem>>) semaphore(%arg17 : memref<!tpu.dma_semaphore, #tpu.memory_space<semaphore_mem>>) {add = true}
    %dma_start3A_51 = arith.constant 2 : i32
    %dma_start3A_52 = arith.constant 0 : i32
    %dma_start3A_53 = tpu.memref_slice %arg9[%dma_start3A_51, %dma_start3A_52] : memref<200x128xi32, #tpu.memory_space<vmem>> -> memref<1x128xi32, #tpu.memory_space<vmem>>
    %dma_start3A_54 = tpu.memref_squeeze %dma_start3A_53 : memref<1x128xi32, #tpu.memory_space<vmem>> -> memref<128xi32, #tpu.memory_space<vmem>>
    %dma_start3A_55 = arith.constant 0 : i32
    %dma_start3A_56 = arith.constant 0 : i32
    %dma_start3A_57 = tpu.memref_slice %arg6[%dma_start3A_55, %dma_start3A_56] : memref<100000x64xf32, #tpu.memory_space<hbm>> -> memref<100000x64xf32, #tpu.memory_space<hbm>>
    tpu.enqueue_indirect_dma source(%dma_start3A_57 : memref<100000x64xf32, #tpu.memory_space<hbm>>) target(%arg13 : memref<128x64xf32, #tpu.memory_space<vmem>>) offsets(%dma_start3A_54 : memref<128xi32, #tpu.memory_space<vmem>>) semaphore(%arg21 : memref<!tpu.dma_semaphore, #tpu.memory_space<semaphore_mem>>) {add = true}
    %scan3A = arith.constant 0 : i32
    %scan3A_58 = arith.constant 0 : i32
    %scan3A_59 = arith.constant 50 : i32
    %scan3A_60 = arith.addi %scan3A_58, %scan3A_59 : i32
    %scan3A_61 = arith.constant 1 : i32
    scf.for %scan3A_66 = %scan3A_58 to %scan3A_60 step %scan3A_61  : i32 {
      %mul3A_67 = arith.constant 4 : i32
      %mul3A_68 = arith.muli %scan3A_66, %mul3A_67 : i32
      %add3A_69 = arith.constant 0 : i32
      %add3A_70 = arith.addi %mul3A_68, %add3A_69 : i32
      %add3A_71 = arith.constant 3 : i32
      %add3A_72 = arith.addi %add3A_70, %add3A_71 : i32
      %sub3A = arith.constant 4 : i32
      %sub3A_73 = arith.subi %add3A_72, %sub3A : i32
      %ge3A = arith.constant 0 : i32
      %ge3A_74 = arith.cmpi sge, %sub3A_73, %ge3A : i32
      %convert_element_type3A_75 = arith.extui %ge3A_74 : i1 to i32
      %cond3A_76 = arith.constant 0 : i32
      %cond3A_77 = arith.cmpi ne, %convert_element_type3A_75, %cond3A_76 : i32
      scf.if %cond3A_77 {
        %dma_wait3A_220 = arith.constant 0 : i32
        %dma_wait3A_221 = tpu.memref_slice %arg7[%mul3A_2, %dma_wait3A_220] : memref<819200x128xf32, #tpu.memory_space<hbm>> -> memref<128x64xf32, #tpu.memory_space<hbm>>
        %dma_wait3A_222 = arith.constant 0 : i32
        %dma_wait3A_223 = tpu.memref_slice %arg7[%mul3A_2, %dma_wait3A_222] : memref<819200x128xf32, #tpu.memory_space<hbm>> -> memref<128x64xf32, #tpu.memory_space<hbm>>
        tpu.wait_dma2 semaphore(%arg26 : memref<!tpu.dma_semaphore, #tpu.memory_space<semaphore_mem>>) src(%arg14 : memref<128x64xf32, #tpu.memory_space<vmem>>) dst(%dma_wait3A_223 : memref<128x64xf32, #tpu.memory_space<hbm>>)
      } else {
      }
      %add3A_78 = arith.constant 3 : i32
      %add3A_79 = arith.addi %add3A_70, %add3A_78 : i32
      %lt3A = arith.constant 200 : i32
      %lt3A_80 = arith.cmpi slt, %add3A_79, %lt3A : i32
      %convert_element_type3A_81 = arith.extui %lt3A_80 : i1 to i32
      %cond3A_82 = arith.constant 0 : i32
      %cond3A_83 = arith.cmpi ne, %convert_element_type3A_81, %cond3A_82 : i32
      scf.if %cond3A_83 {
        %add3A_220 = arith.constant 3 : i32
        %add3A_221 = arith.addi %add3A_70, %add3A_220 : i32
        %mul3A_222 = arith.constant 128 : i32
        %mul3A_223 = arith.muli %add3A_221, %mul3A_222 : i32
        %rem3A_224 = arith.constant 200 : i32
        %rem3A_225 = arith.remsi %mul3A_223, %rem3A_224 : i32
        "tpu.region"() ({
          %run_scoped3A = tpu.sem_alloc : memref<!tpu.dma_semaphore, #tpu.memory_space<semaphore_mem>>
          %dma_start3A_238 = arith.constant 0 : i32
          %dma_start3A_239 = tpu.memref_slice %arg10[%rem3A_225, %dma_start3A_238] : memref<400x64xf32, #tpu.memory_space<vmem_shared>> -> memref<128x64xf32, #tpu.memory_space<vmem_shared>>
          %dma_start3A_240 = arith.constant 0 : i32
          %dma_start3A_241 = tpu.memref_slice %arg10[%rem3A_225, %dma_start3A_240] : memref<400x64xf32, #tpu.memory_space<vmem_shared>> -> memref<128x64xf32, #tpu.memory_space<vmem_shared>>
          tpu.enqueue_dma source(%dma_start3A_241 : memref<128x64xf32, #tpu.memory_space<vmem_shared>>) target(%arg14 : memref<128x64xf32, #tpu.memory_space<vmem>>) target_semaphore(%run_scoped3A : memref<!tpu.dma_semaphore, #tpu.memory_space<semaphore_mem>>)
          %dma_wait3A_242 = arith.constant 0 : i32
          %dma_wait3A_243 = tpu.memref_slice %arg10[%rem3A_225, %dma_wait3A_242] : memref<400x64xf32, #tpu.memory_space<vmem_shared>> -> memref<128x64xf32, #tpu.memory_space<vmem_shared>>
          %dma_wait3A_244 = arith.constant 0 : i32
          %dma_wait3A_245 = tpu.memref_slice %arg10[%rem3A_225, %dma_wait3A_244] : memref<400x64xf32, #tpu.memory_space<vmem_shared>> -> memref<128x64xf32, #tpu.memory_space<vmem_shared>>
          tpu.wait_dma2 semaphore(%run_scoped3A : memref<!tpu.dma_semaphore, #tpu.memory_space<semaphore_mem>>) src(%dma_wait3A_245 : memref<128x64xf32, #tpu.memory_space<vmem_shared>>) dst(%arg14 : memref<128x64xf32, #tpu.memory_space<vmem>>)
          tpu.yield
        }) : () -> ()
        %dma_start3A_226 = arith.constant 0 : i32
        %dma_start3A_227 = tpu.memref_slice %arg8[%add3A_221, %dma_start3A_226] : memref<200x128xi32, #tpu.memory_space<vmem>> -> memref<1x128xi32, #tpu.memory_space<vmem>>
        %dma_start3A_228 = tpu.memref_squeeze %dma_start3A_227 : memref<1x128xi32, #tpu.memory_space<vmem>> -> memref<128xi32, #tpu.memory_space<vmem>>
        %dma_start3A_229 = arith.constant 0 : i32
        %dma_start3A_230 = arith.constant 0 : i32
        %dma_start3A_231 = tpu.memref_slice %arg5[%dma_start3A_229, %dma_start3A_230] : memref<1000000x64xf32, #tpu.memory_space<hbm>> -> memref<1000000x64xf32, #tpu.memory_space<hbm>>
        tpu.enqueue_indirect_dma source(%dma_start3A_231 : memref<1000000x64xf32, #tpu.memory_space<hbm>>) target(%arg14 : memref<128x64xf32, #tpu.memory_space<vmem>>) offsets(%dma_start3A_228 : memref<128xi32, #tpu.memory_space<vmem>>) semaphore(%arg18 : memref<!tpu.dma_semaphore, #tpu.memory_space<semaphore_mem>>) {add = true}
        %dma_start3A_232 = arith.constant 0 : i32
        %dma_start3A_233 = tpu.memref_slice %arg9[%add3A_221, %dma_start3A_232] : memref<200x128xi32, #tpu.memory_space<vmem>> -> memref<1x128xi32, #tpu.memory_space<vmem>>
        %dma_start3A_234 = tpu.memref_squeeze %dma_start3A_233 : memref<1x128xi32, #tpu.memory_space<vmem>> -> memref<128xi32, #tpu.memory_space<vmem>>
        %dma_start3A_235 = arith.constant 0 : i32
        %dma_start3A_236 = arith.constant 0 : i32
        %dma_start3A_237 = tpu.memref_slice %arg6[%dma_start3A_235, %dma_start3A_236] : memref<100000x64xf32, #tpu.memory_space<hbm>> -> memref<100000x64xf32, #tpu.memory_space<hbm>>
        tpu.enqueue_indirect_dma source(%dma_start3A_237 : memref<100000x64xf32, #tpu.memory_space<hbm>>) target(%arg14 : memref<128x64xf32, #tpu.memory_space<vmem>>) offsets(%dma_start3A_234 : memref<128xi32, #tpu.memory_space<vmem>>) semaphore(%arg22 : memref<!tpu.dma_semaphore, #tpu.memory_space<semaphore_mem>>) {add = true}
      } else {
      }
      %dma_wait3A_84 = arith.constant 0 : i32
      %dma_wait3A_85 = tpu.memref_slice %arg8[%add3A_70, %dma_wait3A_84] : memref<200x128xi32, #tpu.memory_space<vmem>> -> memref<1x128xi32, #tpu.memory_space<vmem>>
      %dma_wait3A_86 = tpu.memref_squeeze %dma_wait3A_85 : memref<1x128xi32, #tpu.memory_space<vmem>> -> memref<128xi32, #tpu.memory_space<vmem>>
      %dma_wait3A_87 = arith.constant 0 : i32
      %dma_wait3A_88 = arith.constant 0 : i32
      %dma_wait3A_89 = tpu.memref_slice %arg5[%dma_wait3A_87, %dma_wait3A_88] : memref<1000000x64xf32, #tpu.memory_space<hbm>> -> memref<1000000x64xf32, #tpu.memory_space<hbm>>
      tpu.wait_indirect_dma semaphore(%arg15 : memref<!tpu.dma_semaphore, #tpu.memory_space<semaphore_mem>>) src(%dma_wait3A_89 : memref<1000000x64xf32, #tpu.memory_space<hbm>>) dst(%arg11 : memref<128x64xf32, #tpu.memory_space<vmem>>)
      %dma_wait3A_90 = arith.constant 0 : i32
      %dma_wait3A_91 = tpu.memref_slice %arg9[%add3A_70, %dma_wait3A_90] : memref<200x128xi32, #tpu.memory_space<vmem>> -> memref<1x128xi32, #tpu.memory_space<vmem>>
      %dma_wait3A_92 = tpu.memref_squeeze %dma_wait3A_91 : memref<1x128xi32, #tpu.memory_space<vmem>> -> memref<128xi32, #tpu.memory_space<vmem>>
      %dma_wait3A_93 = arith.constant 0 : i32
      %dma_wait3A_94 = arith.constant 0 : i32
      %dma_wait3A_95 = tpu.memref_slice %arg6[%dma_wait3A_93, %dma_wait3A_94] : memref<100000x64xf32, #tpu.memory_space<hbm>> -> memref<100000x64xf32, #tpu.memory_space<hbm>>
      tpu.wait_indirect_dma semaphore(%arg19 : memref<!tpu.dma_semaphore, #tpu.memory_space<semaphore_mem>>) src(%dma_wait3A_95 : memref<100000x64xf32, #tpu.memory_space<hbm>>) dst(%arg11 : memref<128x64xf32, #tpu.memory_space<vmem>>)
      %mul3A_96 = arith.constant 128 : i32
      %mul3A_97 = arith.muli %add3A_70, %mul3A_96 : i32
      %add3A_98 = arith.addi %mul3A_2, %mul3A_97 : i32
      %dma_start3A_99 = arith.constant 0 : i32
      %dma_start3A_100 = tpu.memref_slice %arg7[%add3A_98, %dma_start3A_99] : memref<819200x128xf32, #tpu.memory_space<hbm>> -> memref<128x64xf32, #tpu.memory_space<hbm>>
      %dma_start3A_101 = arith.constant 0 : i32
      %dma_start3A_102 = tpu.memref_slice %arg7[%add3A_98, %dma_start3A_101] : memref<819200x128xf32, #tpu.memory_space<hbm>> -> memref<128x64xf32, #tpu.memory_space<hbm>>
      tpu.enqueue_dma source(%arg11 : memref<128x64xf32, #tpu.memory_space<vmem>>) target(%dma_start3A_102 : memref<128x64xf32, #tpu.memory_space<hbm>>) target_semaphore(%arg23 : memref<!tpu.dma_semaphore, #tpu.memory_space<semaphore_mem>>)
      %mul3A_103 = arith.constant 4 : i32
      %mul3A_104 = arith.muli %scan3A_66, %mul3A_103 : i32
      %add3A_105 = arith.constant 1 : i32
      %add3A_106 = arith.addi %mul3A_104, %add3A_105 : i32
      %add3A_107 = arith.constant 3 : i32
      %add3A_108 = arith.addi %add3A_106, %add3A_107 : i32
      %sub3A_109 = arith.constant 4 : i32
      %sub3A_110 = arith.subi %add3A_108, %sub3A_109 : i32
      %ge3A_111 = arith.constant 0 : i32
      %ge3A_112 = arith.cmpi sge, %sub3A_110, %ge3A_111 : i32
      %convert_element_type3A_113 = arith.extui %ge3A_112 : i1 to i32
      %cond3A_114 = arith.constant 0 : i32
      %cond3A_115 = arith.cmpi ne, %convert_element_type3A_113, %cond3A_114 : i32
      scf.if %cond3A_115 {
        %dma_wait3A_220 = arith.constant 0 : i32
        %dma_wait3A_221 = tpu.memref_slice %arg7[%mul3A_2, %dma_wait3A_220] : memref<819200x128xf32, #tpu.memory_space<hbm>> -> memref<128x64xf32, #tpu.memory_space<hbm>>
        %dma_wait3A_222 = arith.constant 0 : i32
        %dma_wait3A_223 = tpu.memref_slice %arg7[%mul3A_2, %dma_wait3A_222] : memref<819200x128xf32, #tpu.memory_space<hbm>> -> memref<128x64xf32, #tpu.memory_space<hbm>>
        tpu.wait_dma2 semaphore(%arg23 : memref<!tpu.dma_semaphore, #tpu.memory_space<semaphore_mem>>) src(%arg11 : memref<128x64xf32, #tpu.memory_space<vmem>>) dst(%dma_wait3A_223 : memref<128x64xf32, #tpu.memory_space<hbm>>)
      } else {
      }
      %add3A_116 = arith.constant 3 : i32
      %add3A_117 = arith.addi %add3A_106, %add3A_116 : i32
      %lt3A_118 = arith.constant 200 : i32
      %lt3A_119 = arith.cmpi slt, %add3A_117, %lt3A_118 : i32
      %convert_element_type3A_120 = arith.extui %lt3A_119 : i1 to i32
      %cond3A_121 = arith.constant 0 : i32
      %cond3A_122 = arith.cmpi ne, %convert_element_type3A_120, %cond3A_121 : i32
      scf.if %cond3A_122 {
        %add3A_220 = arith.constant 3 : i32
        %add3A_221 = arith.addi %add3A_106, %add3A_220 : i32
        %mul3A_222 = arith.constant 128 : i32
        %mul3A_223 = arith.muli %add3A_221, %mul3A_222 : i32
        %rem3A_224 = arith.constant 200 : i32
        %rem3A_225 = arith.remsi %mul3A_223, %rem3A_224 : i32
        "tpu.region"() ({
          %run_scoped3A = tpu.sem_alloc : memref<!tpu.dma_semaphore, #tpu.memory_space<semaphore_mem>>
          %dma_start3A_238 = arith.constant 0 : i32
          %dma_start3A_239 = tpu.memref_slice %arg10[%rem3A_225, %dma_start3A_238] : memref<400x64xf32, #tpu.memory_space<vmem_shared>> -> memref<128x64xf32, #tpu.memory_space<vmem_shared>>
          %dma_start3A_240 = arith.constant 0 : i32
          %dma_start3A_241 = tpu.memref_slice %arg10[%rem3A_225, %dma_start3A_240] : memref<400x64xf32, #tpu.memory_space<vmem_shared>> -> memref<128x64xf32, #tpu.memory_space<vmem_shared>>
          tpu.enqueue_dma source(%dma_start3A_241 : memref<128x64xf32, #tpu.memory_space<vmem_shared>>) target(%arg11 : memref<128x64xf32, #tpu.memory_space<vmem>>) target_semaphore(%run_scoped3A : memref<!tpu.dma_semaphore, #tpu.memory_space<semaphore_mem>>)
          %dma_wait3A_242 = arith.constant 0 : i32
          %dma_wait3A_243 = tpu.memref_slice %arg10[%rem3A_225, %dma_wait3A_242] : memref<400x64xf32, #tpu.memory_space<vmem_shared>> -> memref<128x64xf32, #tpu.memory_space<vmem_shared>>
          %dma_wait3A_244 = arith.constant 0 : i32
          %dma_wait3A_245 = tpu.memref_slice %arg10[%rem3A_225, %dma_wait3A_244] : memref<400x64xf32, #tpu.memory_space<vmem_shared>> -> memref<128x64xf32, #tpu.memory_space<vmem_shared>>
          tpu.wait_dma2 semaphore(%run_scoped3A : memref<!tpu.dma_semaphore, #tpu.memory_space<semaphore_mem>>) src(%dma_wait3A_245 : memref<128x64xf32, #tpu.memory_space<vmem_shared>>) dst(%arg11 : memref<128x64xf32, #tpu.memory_space<vmem>>)
          tpu.yield
        }) : () -> ()
        %dma_start3A_226 = arith.constant 0 : i32
        %dma_start3A_227 = tpu.memref_slice %arg8[%add3A_221, %dma_start3A_226] : memref<200x128xi32, #tpu.memory_space<vmem>> -> memref<1x128xi32, #tpu.memory_space<vmem>>
        %dma_start3A_228 = tpu.memref_squeeze %dma_start3A_227 : memref<1x128xi32, #tpu.memory_space<vmem>> -> memref<128xi32, #tpu.memory_space<vmem>>
        %dma_start3A_229 = arith.constant 0 : i32
        %dma_start3A_230 = arith.constant 0 : i32
        %dma_start3A_231 = tpu.memref_slice %arg5[%dma_start3A_229, %dma_start3A_230] : memref<1000000x64xf32, #tpu.memory_space<hbm>> -> memref<1000000x64xf32, #tpu.memory_space<hbm>>
        tpu.enqueue_indirect_dma source(%dma_start3A_231 : memref<1000000x64xf32, #tpu.memory_space<hbm>>) target(%arg11 : memref<128x64xf32, #tpu.memory_space<vmem>>) offsets(%dma_start3A_228 : memref<128xi32, #tpu.memory_space<vmem>>) semaphore(%arg15 : memref<!tpu.dma_semaphore, #tpu.memory_space<semaphore_mem>>) {add = true}
        %dma_start3A_232 = arith.constant 0 : i32
        %dma_start3A_233 = tpu.memref_slice %arg9[%add3A_221, %dma_start3A_232] : memref<200x128xi32, #tpu.memory_space<vmem>> -> memref<1x128xi32, #tpu.memory_space<vmem>>
        %dma_start3A_234 = tpu.memref_squeeze %dma_start3A_233 : memref<1x128xi32, #tpu.memory_space<vmem>> -> memref<128xi32, #tpu.memory_space<vmem>>
        %dma_start3A_235 = arith.constant 0 : i32
        %dma_start3A_236 = arith.constant 0 : i32
        %dma_start3A_237 = tpu.memref_slice %arg6[%dma_start3A_235, %dma_start3A_236] : memref<100000x64xf32, #tpu.memory_space<hbm>> -> memref<100000x64xf32, #tpu.memory_space<hbm>>
        tpu.enqueue_indirect_dma source(%dma_start3A_237 : memref<100000x64xf32, #tpu.memory_space<hbm>>) target(%arg11 : memref<128x64xf32, #tpu.memory_space<vmem>>) offsets(%dma_start3A_234 : memref<128xi32, #tpu.memory_space<vmem>>) semaphore(%arg19 : memref<!tpu.dma_semaphore, #tpu.memory_space<semaphore_mem>>) {add = true}
      } else {
      }
      %dma_wait3A_123 = arith.constant 0 : i32
      %dma_wait3A_124 = tpu.memref_slice %arg8[%add3A_106, %dma_wait3A_123] : memref<200x128xi32, #tpu.memory_space<vmem>> -> memref<1x128xi32, #tpu.memory_space<vmem>>
      %dma_wait3A_125 = tpu.memref_squeeze %dma_wait3A_124 : memref<1x128xi32, #tpu.memory_space<vmem>> -> memref<128xi32, #tpu.memory_space<vmem>>
      %dma_wait3A_126 = arith.constant 0 : i32
      %dma_wait3A_127 = arith.constant 0 : i32
      %dma_wait3A_128 = tpu.memref_slice %arg5[%dma_wait3A_126, %dma_wait3A_127] : memref<1000000x64xf32, #tpu.memory_space<hbm>> -> memref<1000000x64xf32, #tpu.memory_space<hbm>>
      tpu.wait_indirect_dma semaphore(%arg16 : memref<!tpu.dma_semaphore, #tpu.memory_space<semaphore_mem>>) src(%dma_wait3A_128 : memref<1000000x64xf32, #tpu.memory_space<hbm>>) dst(%arg12 : memref<128x64xf32, #tpu.memory_space<vmem>>)
      %dma_wait3A_129 = arith.constant 0 : i32
      %dma_wait3A_130 = tpu.memref_slice %arg9[%add3A_106, %dma_wait3A_129] : memref<200x128xi32, #tpu.memory_space<vmem>> -> memref<1x128xi32, #tpu.memory_space<vmem>>
      %dma_wait3A_131 = tpu.memref_squeeze %dma_wait3A_130 : memref<1x128xi32, #tpu.memory_space<vmem>> -> memref<128xi32, #tpu.memory_space<vmem>>
      %dma_wait3A_132 = arith.constant 0 : i32
      %dma_wait3A_133 = arith.constant 0 : i32
      %dma_wait3A_134 = tpu.memref_slice %arg6[%dma_wait3A_132, %dma_wait3A_133] : memref<100000x64xf32, #tpu.memory_space<hbm>> -> memref<100000x64xf32, #tpu.memory_space<hbm>>
      tpu.wait_indirect_dma semaphore(%arg20 : memref<!tpu.dma_semaphore, #tpu.memory_space<semaphore_mem>>) src(%dma_wait3A_134 : memref<100000x64xf32, #tpu.memory_space<hbm>>) dst(%arg12 : memref<128x64xf32, #tpu.memory_space<vmem>>)
      %mul3A_135 = arith.constant 128 : i32
      %mul3A_136 = arith.muli %add3A_106, %mul3A_135 : i32
      %add3A_137 = arith.addi %mul3A_2, %mul3A_136 : i32
      %dma_start3A_138 = arith.constant 0 : i32
      %dma_start3A_139 = tpu.memref_slice %arg7[%add3A_137, %dma_start3A_138] : memref<819200x128xf32, #tpu.memory_space<hbm>> -> memref<128x64xf32, #tpu.memory_space<hbm>>
      %dma_start3A_140 = arith.constant 0 : i32
      %dma_start3A_141 = tpu.memref_slice %arg7[%add3A_137, %dma_start3A_140] : memref<819200x128xf32, #tpu.memory_space<hbm>> -> memref<128x64xf32, #tpu.memory_space<hbm>>
      tpu.enqueue_dma source(%arg12 : memref<128x64xf32, #tpu.memory_space<vmem>>) target(%dma_start3A_141 : memref<128x64xf32, #tpu.memory_space<hbm>>) target_semaphore(%arg24 : memref<!tpu.dma_semaphore, #tpu.memory_space<semaphore_mem>>)
      %mul3A_142 = arith.constant 4 : i32
      %mul3A_143 = arith.muli %scan3A_66, %mul3A_142 : i32
      %add3A_144 = arith.constant 2 : i32
      %add3A_145 = arith.addi %mul3A_143, %add3A_144 : i32
      %add3A_146 = arith.constant 3 : i32
      %add3A_147 = arith.addi %add3A_145, %add3A_146 : i32
      %sub3A_148 = arith.constant 4 : i32
      %sub3A_149 = arith.subi %add3A_147, %sub3A_148 : i32
      %ge3A_150 = arith.constant 0 : i32
      %ge3A_151 = arith.cmpi sge, %sub3A_149, %ge3A_150 : i32
      %convert_element_type3A_152 = arith.extui %ge3A_151 : i1 to i32
      %cond3A_153 = arith.constant 0 : i32
      %cond3A_154 = arith.cmpi ne, %convert_element_type3A_152, %cond3A_153 : i32
      scf.if %cond3A_154 {
        %dma_wait3A_220 = arith.constant 0 : i32
        %dma_wait3A_221 = tpu.memref_slice %arg7[%mul3A_2, %dma_wait3A_220] : memref<819200x128xf32, #tpu.memory_space<hbm>> -> memref<128x64xf32, #tpu.memory_space<hbm>>
        %dma_wait3A_222 = arith.constant 0 : i32
        %dma_wait3A_223 = tpu.memref_slice %arg7[%mul3A_2, %dma_wait3A_222] : memref<819200x128xf32, #tpu.memory_space<hbm>> -> memref<128x64xf32, #tpu.memory_space<hbm>>
        tpu.wait_dma2 semaphore(%arg24 : memref<!tpu.dma_semaphore, #tpu.memory_space<semaphore_mem>>) src(%arg12 : memref<128x64xf32, #tpu.memory_space<vmem>>) dst(%dma_wait3A_223 : memref<128x64xf32, #tpu.memory_space<hbm>>)
      } else {
      }
      %add3A_155 = arith.constant 3 : i32
      %add3A_156 = arith.addi %add3A_145, %add3A_155 : i32
      %lt3A_157 = arith.constant 200 : i32
      %lt3A_158 = arith.cmpi slt, %add3A_156, %lt3A_157 : i32
      %convert_element_type3A_159 = arith.extui %lt3A_158 : i1 to i32
      %cond3A_160 = arith.constant 0 : i32
      %cond3A_161 = arith.cmpi ne, %convert_element_type3A_159, %cond3A_160 : i32
      scf.if %cond3A_161 {
        %add3A_220 = arith.constant 3 : i32
        %add3A_221 = arith.addi %add3A_145, %add3A_220 : i32
        %mul3A_222 = arith.constant 128 : i32
        %mul3A_223 = arith.muli %add3A_221, %mul3A_222 : i32
        %rem3A_224 = arith.constant 200 : i32
        %rem3A_225 = arith.remsi %mul3A_223, %rem3A_224 : i32
        "tpu.region"() ({
          %run_scoped3A = tpu.sem_alloc : memref<!tpu.dma_semaphore, #tpu.memory_space<semaphore_mem>>
          %dma_start3A_238 = arith.constant 0 : i32
          %dma_start3A_239 = tpu.memref_slice %arg10[%rem3A_225, %dma_start3A_238] : memref<400x64xf32, #tpu.memory_space<vmem_shared>> -> memref<128x64xf32, #tpu.memory_space<vmem_shared>>
          %dma_start3A_240 = arith.constant 0 : i32
          %dma_start3A_241 = tpu.memref_slice %arg10[%rem3A_225, %dma_start3A_240] : memref<400x64xf32, #tpu.memory_space<vmem_shared>> -> memref<128x64xf32, #tpu.memory_space<vmem_shared>>
          tpu.enqueue_dma source(%dma_start3A_241 : memref<128x64xf32, #tpu.memory_space<vmem_shared>>) target(%arg12 : memref<128x64xf32, #tpu.memory_space<vmem>>) target_semaphore(%run_scoped3A : memref<!tpu.dma_semaphore, #tpu.memory_space<semaphore_mem>>)
          %dma_wait3A_242 = arith.constant 0 : i32
          %dma_wait3A_243 = tpu.memref_slice %arg10[%rem3A_225, %dma_wait3A_242] : memref<400x64xf32, #tpu.memory_space<vmem_shared>> -> memref<128x64xf32, #tpu.memory_space<vmem_shared>>
          %dma_wait3A_244 = arith.constant 0 : i32
          %dma_wait3A_245 = tpu.memref_slice %arg10[%rem3A_225, %dma_wait3A_244] : memref<400x64xf32, #tpu.memory_space<vmem_shared>> -> memref<128x64xf32, #tpu.memory_space<vmem_shared>>
          tpu.wait_dma2 semaphore(%run_scoped3A : memref<!tpu.dma_semaphore, #tpu.memory_space<semaphore_mem>>) src(%dma_wait3A_245 : memref<128x64xf32, #tpu.memory_space<vmem_shared>>) dst(%arg12 : memref<128x64xf32, #tpu.memory_space<vmem>>)
          tpu.yield
        }) : () -> ()
        %dma_start3A_226 = arith.constant 0 : i32
        %dma_start3A_227 = tpu.memref_slice %arg8[%add3A_221, %dma_start3A_226] : memref<200x128xi32, #tpu.memory_space<vmem>> -> memref<1x128xi32, #tpu.memory_space<vmem>>
        %dma_start3A_228 = tpu.memref_squeeze %dma_start3A_227 : memref<1x128xi32, #tpu.memory_space<vmem>> -> memref<128xi32, #tpu.memory_space<vmem>>
        %dma_start3A_229 = arith.constant 0 : i32
        %dma_start3A_230 = arith.constant 0 : i32
        %dma_start3A_231 = tpu.memref_slice %arg5[%dma_start3A_229, %dma_start3A_230] : memref<1000000x64xf32, #tpu.memory_space<hbm>> -> memref<1000000x64xf32, #tpu.memory_space<hbm>>
        tpu.enqueue_indirect_dma source(%dma_start3A_231 : memref<1000000x64xf32, #tpu.memory_space<hbm>>) target(%arg12 : memref<128x64xf32, #tpu.memory_space<vmem>>) offsets(%dma_start3A_228 : memref<128xi32, #tpu.memory_space<vmem>>) semaphore(%arg16 : memref<!tpu.dma_semaphore, #tpu.memory_space<semaphore_mem>>) {add = true}
        %dma_start3A_232 = arith.constant 0 : i32
        %dma_start3A_233 = tpu.memref_slice %arg9[%add3A_221, %dma_start3A_232] : memref<200x128xi32, #tpu.memory_space<vmem>> -> memref<1x128xi32, #tpu.memory_space<vmem>>
        %dma_start3A_234 = tpu.memref_squeeze %dma_start3A_233 : memref<1x128xi32, #tpu.memory_space<vmem>> -> memref<128xi32, #tpu.memory_space<vmem>>
        %dma_start3A_235 = arith.constant 0 : i32
        %dma_start3A_236 = arith.constant 0 : i32
        %dma_start3A_237 = tpu.memref_slice %arg6[%dma_start3A_235, %dma_start3A_236] : memref<100000x64xf32, #tpu.memory_space<hbm>> -> memref<100000x64xf32, #tpu.memory_space<hbm>>
        tpu.enqueue_indirect_dma source(%dma_start3A_237 : memref<100000x64xf32, #tpu.memory_space<hbm>>) target(%arg12 : memref<128x64xf32, #tpu.memory_space<vmem>>) offsets(%dma_start3A_234 : memref<128xi32, #tpu.memory_space<vmem>>) semaphore(%arg20 : memref<!tpu.dma_semaphore, #tpu.memory_space<semaphore_mem>>) {add = true}
      } else {
      }
      %dma_wait3A_162 = arith.constant 0 : i32
      %dma_wait3A_163 = tpu.memref_slice %arg8[%add3A_145, %dma_wait3A_162] : memref<200x128xi32, #tpu.memory_space<vmem>> -> memref<1x128xi32, #tpu.memory_space<vmem>>
      %dma_wait3A_164 = tpu.memref_squeeze %dma_wait3A_163 : memref<1x128xi32, #tpu.memory_space<vmem>> -> memref<128xi32, #tpu.memory_space<vmem>>
      %dma_wait3A_165 = arith.constant 0 : i32
      %dma_wait3A_166 = arith.constant 0 : i32
      %dma_wait3A_167 = tpu.memref_slice %arg5[%dma_wait3A_165, %dma_wait3A_166] : memref<1000000x64xf32, #tpu.memory_space<hbm>> -> memref<1000000x64xf32, #tpu.memory_space<hbm>>
      tpu.wait_indirect_dma semaphore(%arg17 : memref<!tpu.dma_semaphore, #tpu.memory_space<semaphore_mem>>) src(%dma_wait3A_167 : memref<1000000x64xf32, #tpu.memory_space<hbm>>) dst(%arg13 : memref<128x64xf32, #tpu.memory_space<vmem>>)
      %dma_wait3A_168 = arith.constant 0 : i32
      %dma_wait3A_169 = tpu.memref_slice %arg9[%add3A_145, %dma_wait3A_168] : memref<200x128xi32, #tpu.memory_space<vmem>> -> memref<1x128xi32, #tpu.memory_space<vmem>>
      %dma_wait3A_170 = tpu.memref_squeeze %dma_wait3A_169 : memref<1x128xi32, #tpu.memory_space<vmem>> -> memref<128xi32, #tpu.memory_space<vmem>>
      %dma_wait3A_171 = arith.constant 0 : i32
      %dma_wait3A_172 = arith.constant 0 : i32
      %dma_wait3A_173 = tpu.memref_slice %arg6[%dma_wait3A_171, %dma_wait3A_172] : memref<100000x64xf32, #tpu.memory_space<hbm>> -> memref<100000x64xf32, #tpu.memory_space<hbm>>
      tpu.wait_indirect_dma semaphore(%arg21 : memref<!tpu.dma_semaphore, #tpu.memory_space<semaphore_mem>>) src(%dma_wait3A_173 : memref<100000x64xf32, #tpu.memory_space<hbm>>) dst(%arg13 : memref<128x64xf32, #tpu.memory_space<vmem>>)
      %mul3A_174 = arith.constant 128 : i32
      %mul3A_175 = arith.muli %add3A_145, %mul3A_174 : i32
      %add3A_176 = arith.addi %mul3A_2, %mul3A_175 : i32
      %dma_start3A_177 = arith.constant 0 : i32
      %dma_start3A_178 = tpu.memref_slice %arg7[%add3A_176, %dma_start3A_177] : memref<819200x128xf32, #tpu.memory_space<hbm>> -> memref<128x64xf32, #tpu.memory_space<hbm>>
      %dma_start3A_179 = arith.constant 0 : i32
      %dma_start3A_180 = tpu.memref_slice %arg7[%add3A_176, %dma_start3A_179] : memref<819200x128xf32, #tpu.memory_space<hbm>> -> memref<128x64xf32, #tpu.memory_space<hbm>>
      tpu.enqueue_dma source(%arg13 : memref<128x64xf32, #tpu.memory_space<vmem>>) target(%dma_start3A_180 : memref<128x64xf32, #tpu.memory_space<hbm>>) target_semaphore(%arg25 : memref<!tpu.dma_semaphore, #tpu.memory_space<semaphore_mem>>)
      %mul3A_181 = arith.constant 4 : i32
      %mul3A_182 = arith.muli %scan3A_66, %mul3A_181 : i32
      %add3A_183 = arith.constant 3 : i32
      %add3A_184 = arith.addi %mul3A_182, %add3A_183 : i32
      %add3A_185 = arith.constant 3 : i32
      %add3A_186 = arith.addi %add3A_184, %add3A_185 : i32
      %sub3A_187 = arith.constant 4 : i32
      %sub3A_188 = arith.subi %add3A_186, %sub3A_187 : i32
      %ge3A_189 = arith.constant 0 : i32
      %ge3A_190 = arith.cmpi sge, %sub3A_188, %ge3A_189 : i32
      %convert_element_type3A_191 = arith.extui %ge3A_190 : i1 to i32
      %cond3A_192 = arith.constant 0 : i32
      %cond3A_193 = arith.cmpi ne, %convert_element_type3A_191, %cond3A_192 : i32
      scf.if %cond3A_193 {
        %dma_wait3A_220 = arith.constant 0 : i32
        %dma_wait3A_221 = tpu.memref_slice %arg7[%mul3A_2, %dma_wait3A_220] : memref<819200x128xf32, #tpu.memory_space<hbm>> -> memref<128x64xf32, #tpu.memory_space<hbm>>
        %dma_wait3A_222 = arith.constant 0 : i32
        %dma_wait3A_223 = tpu.memref_slice %arg7[%mul3A_2, %dma_wait3A_222] : memref<819200x128xf32, #tpu.memory_space<hbm>> -> memref<128x64xf32, #tpu.memory_space<hbm>>
        tpu.wait_dma2 semaphore(%arg25 : memref<!tpu.dma_semaphore, #tpu.memory_space<semaphore_mem>>) src(%arg13 : memref<128x64xf32, #tpu.memory_space<vmem>>) dst(%dma_wait3A_223 : memref<128x64xf32, #tpu.memory_space<hbm>>)
      } else {
      }
      %add3A_194 = arith.constant 3 : i32
      %add3A_195 = arith.addi %add3A_184, %add3A_194 : i32
      %lt3A_196 = arith.constant 200 : i32
      %lt3A_197 = arith.cmpi slt, %add3A_195, %lt3A_196 : i32
      %convert_element_type3A_198 = arith.extui %lt3A_197 : i1 to i32
      %cond3A_199 = arith.constant 0 : i32
      %cond3A_200 = arith.cmpi ne, %convert_element_type3A_198, %cond3A_199 : i32
      scf.if %cond3A_200 {
        %add3A_220 = arith.constant 3 : i32
        %add3A_221 = arith.addi %add3A_184, %add3A_220 : i32
        %mul3A_222 = arith.constant 128 : i32
        %mul3A_223 = arith.muli %add3A_221, %mul3A_222 : i32
        %rem3A_224 = arith.constant 200 : i32
        %rem3A_225 = arith.remsi %mul3A_223, %rem3A_224 : i32
        "tpu.region"() ({
          %run_scoped3A = tpu.sem_alloc : memref<!tpu.dma_semaphore, #tpu.memory_space<semaphore_mem>>
          %dma_start3A_238 = arith.constant 0 : i32
          %dma_start3A_239 = tpu.memref_slice %arg10[%rem3A_225, %dma_start3A_238] : memref<400x64xf32, #tpu.memory_space<vmem_shared>> -> memref<128x64xf32, #tpu.memory_space<vmem_shared>>
          %dma_start3A_240 = arith.constant 0 : i32
          %dma_start3A_241 = tpu.memref_slice %arg10[%rem3A_225, %dma_start3A_240] : memref<400x64xf32, #tpu.memory_space<vmem_shared>> -> memref<128x64xf32, #tpu.memory_space<vmem_shared>>
          tpu.enqueue_dma source(%dma_start3A_241 : memref<128x64xf32, #tpu.memory_space<vmem_shared>>) target(%arg13 : memref<128x64xf32, #tpu.memory_space<vmem>>) target_semaphore(%run_scoped3A : memref<!tpu.dma_semaphore, #tpu.memory_space<semaphore_mem>>)
          %dma_wait3A_242 = arith.constant 0 : i32
          %dma_wait3A_243 = tpu.memref_slice %arg10[%rem3A_225, %dma_wait3A_242] : memref<400x64xf32, #tpu.memory_space<vmem_shared>> -> memref<128x64xf32, #tpu.memory_space<vmem_shared>>
          %dma_wait3A_244 = arith.constant 0 : i32
          %dma_wait3A_245 = tpu.memref_slice %arg10[%rem3A_225, %dma_wait3A_244] : memref<400x64xf32, #tpu.memory_space<vmem_shared>> -> memref<128x64xf32, #tpu.memory_space<vmem_shared>>
          tpu.wait_dma2 semaphore(%run_scoped3A : memref<!tpu.dma_semaphore, #tpu.memory_space<semaphore_mem>>) src(%dma_wait3A_245 : memref<128x64xf32, #tpu.memory_space<vmem_shared>>) dst(%arg13 : memref<128x64xf32, #tpu.memory_space<vmem>>)
          tpu.yield
        }) : () -> ()
        %dma_start3A_226 = arith.constant 0 : i32
        %dma_start3A_227 = tpu.memref_slice %arg8[%add3A_221, %dma_start3A_226] : memref<200x128xi32, #tpu.memory_space<vmem>> -> memref<1x128xi32, #tpu.memory_space<vmem>>
        %dma_start3A_228 = tpu.memref_squeeze %dma_start3A_227 : memref<1x128xi32, #tpu.memory_space<vmem>> -> memref<128xi32, #tpu.memory_space<vmem>>
        %dma_start3A_229 = arith.constant 0 : i32
        %dma_start3A_230 = arith.constant 0 : i32
        %dma_start3A_231 = tpu.memref_slice %arg5[%dma_start3A_229, %dma_start3A_230] : memref<1000000x64xf32, #tpu.memory_space<hbm>> -> memref<1000000x64xf32, #tpu.memory_space<hbm>>
        tpu.enqueue_indirect_dma source(%dma_start3A_231 : memref<1000000x64xf32, #tpu.memory_space<hbm>>) target(%arg13 : memref<128x64xf32, #tpu.memory_space<vmem>>) offsets(%dma_start3A_228 : memref<128xi32, #tpu.memory_space<vmem>>) semaphore(%arg17 : memref<!tpu.dma_semaphore, #tpu.memory_space<semaphore_mem>>) {add = true}
        %dma_start3A_232 = arith.constant 0 : i32
        %dma_start3A_233 = tpu.memref_slice %arg9[%add3A_221, %dma_start3A_232] : memref<200x128xi32, #tpu.memory_space<vmem>> -> memref<1x128xi32, #tpu.memory_space<vmem>>
        %dma_start3A_234 = tpu.memref_squeeze %dma_start3A_233 : memref<1x128xi32, #tpu.memory_space<vmem>> -> memref<128xi32, #tpu.memory_space<vmem>>
        %dma_start3A_235 = arith.constant 0 : i32
        %dma_start3A_236 = arith.constant 0 : i32
        %dma_start3A_237 = tpu.memref_slice %arg6[%dma_start3A_235, %dma_start3A_236] : memref<100000x64xf32, #tpu.memory_space<hbm>> -> memref<100000x64xf32, #tpu.memory_space<hbm>>
        tpu.enqueue_indirect_dma source(%dma_start3A_237 : memref<100000x64xf32, #tpu.memory_space<hbm>>) target(%arg13 : memref<128x64xf32, #tpu.memory_space<vmem>>) offsets(%dma_start3A_234 : memref<128xi32, #tpu.memory_space<vmem>>) semaphore(%arg21 : memref<!tpu.dma_semaphore, #tpu.memory_space<semaphore_mem>>) {add = true}
      } else {
      }
      %dma_wait3A_201 = arith.constant 0 : i32
      %dma_wait3A_202 = tpu.memref_slice %arg8[%add3A_184, %dma_wait3A_201] : memref<200x128xi32, #tpu.memory_space<vmem>> -> memref<1x128xi32, #tpu.memory_space<vmem>>
      %dma_wait3A_203 = tpu.memref_squeeze %dma_wait3A_202 : memref<1x128xi32, #tpu.memory_space<vmem>> -> memref<128xi32, #tpu.memory_space<vmem>>
      %dma_wait3A_204 = arith.constant 0 : i32
      %dma_wait3A_205 = arith.constant 0 : i32
      %dma_wait3A_206 = tpu.memref_slice %arg5[%dma_wait3A_204, %dma_wait3A_205] : memref<1000000x64xf32, #tpu.memory_space<hbm>> -> memref<1000000x64xf32, #tpu.memory_space<hbm>>
      tpu.wait_indirect_dma semaphore(%arg18 : memref<!tpu.dma_semaphore, #tpu.memory_space<semaphore_mem>>) src(%dma_wait3A_206 : memref<1000000x64xf32, #tpu.memory_space<hbm>>) dst(%arg14 : memref<128x64xf32, #tpu.memory_space<vmem>>)
      %dma_wait3A_207 = arith.constant 0 : i32
      %dma_wait3A_208 = tpu.memref_slice %arg9[%add3A_184, %dma_wait3A_207] : memref<200x128xi32, #tpu.memory_space<vmem>> -> memref<1x128xi32, #tpu.memory_space<vmem>>
      %dma_wait3A_209 = tpu.memref_squeeze %dma_wait3A_208 : memref<1x128xi32, #tpu.memory_space<vmem>> -> memref<128xi32, #tpu.memory_space<vmem>>
      %dma_wait3A_210 = arith.constant 0 : i32
      %dma_wait3A_211 = arith.constant 0 : i32
      %dma_wait3A_212 = tpu.memref_slice %arg6[%dma_wait3A_210, %dma_wait3A_211] : memref<100000x64xf32, #tpu.memory_space<hbm>> -> memref<100000x64xf32, #tpu.memory_space<hbm>>
      tpu.wait_indirect_dma semaphore(%arg22 : memref<!tpu.dma_semaphore, #tpu.memory_space<semaphore_mem>>) src(%dma_wait3A_212 : memref<100000x64xf32, #tpu.memory_space<hbm>>) dst(%arg14 : memref<128x64xf32, #tpu.memory_space<vmem>>)
      %mul3A_213 = arith.constant 128 : i32
      %mul3A_214 = arith.muli %add3A_184, %mul3A_213 : i32
      %add3A_215 = arith.addi %mul3A_2, %mul3A_214 : i32
      %dma_start3A_216 = arith.constant 0 : i32
      %dma_start3A_217 = tpu.memref_slice %arg7[%add3A_215, %dma_start3A_216] : memref<819200x128xf32, #tpu.memory_space<hbm>> -> memref<128x64xf32, #tpu.memory_space<hbm>>
      %dma_start3A_218 = arith.constant 0 : i32
      %dma_start3A_219 = tpu.memref_slice %arg7[%add3A_215, %dma_start3A_218] : memref<819200x128xf32, #tpu.memory_space<hbm>> -> memref<128x64xf32, #tpu.memory_space<hbm>>
      tpu.enqueue_dma source(%arg14 : memref<128x64xf32, #tpu.memory_space<vmem>>) target(%dma_start3A_219 : memref<128x64xf32, #tpu.memory_space<hbm>>) target_semaphore(%arg26 : memref<!tpu.dma_semaphore, #tpu.memory_space<semaphore_mem>>)
    }
    %scan3A_62 = arith.constant 50 : i32
    %dma_wait3A = arith.constant 0 : i32
    %dma_wait3A_63 = tpu.memref_slice %arg7[%mul3A_2, %dma_wait3A] : memref<819200x128xf32, #tpu.memory_space<hbm>> -> memref<128x64xf32, #tpu.memory_space<hbm>>
    %dma_wait3A_64 = arith.constant 0 : i32
    %dma_wait3A_65 = tpu.memref_slice %arg7[%mul3A_2, %dma_wait3A_64] : memref<819200x128xf32, #tpu.memory_space<hbm>> -> memref<128x64xf32, #tpu.memory_space<hbm>>
    tpu.wait_dma2 semaphore(%arg26 : memref<!tpu.dma_semaphore, #tpu.memory_space<semaphore_mem>>) src(%arg14 : memref<128x64xf32, #tpu.memory_space<vmem>>) dst(%dma_wait3A_65 : memref<128x64xf32, #tpu.memory_space<hbm>>)
    return
  }
}

</mosaic_0001>

<sc_bundles>
// kernel: kernel.3.cloned.1.call-start
scs
__scs_entry_jumppad:
0x0: {  	(pc) =	sbr.rel $0x88, $3  }
0x1: {  	(tag) =	ssettag $0x0;
	lr =	simm.s32 $0x1  }
0x2: {  	[smem:$0x3F9C] =	sst lr;
	_ =	strace $0xD0000000  }
0x3: {  	_ = 	snop  }
0x4: {  	_ = 	snop  }
0x5: {  	_ = 	snop  }
0x6: {  	_ = 	snop  }
0x7: {  	_ = 	snop  }
__scs_overlays_trampoline_lowered:
0x8: {  	[smem:$0x3FAB] =	sst s0  }
0x9: {  	[smem:$0x3FAC] =	sst s1  }
0xa: {  	[smem:$0x3FAD] =	sst s2  }
0xb: {  	[smem:$0x3FAE] =	sst s3  }
0xc: {  	[smem:$0x3FAF] =	sst s4  }
0xd: {  	[smem:$0x3FB0] =	sst s5  }
0xe: {  	[smem:$0x3FB1] =	sst s6  }
0xf: {  	[smem:$0x3FB2] =	sst s7  }
0x10: {  	[smem:$0x3FB3] =	sst s8  }
0x11: {  	[smem:$0x3FB4] =	sst s9;
	s0 =	simm.s32 @!p0 $0x0  }
0x12: {  	s1 =	sld [smem:$0x3F9A];
	s0 =	simm.s32 @p0 $0x1  }
0x13: {  	[smem:$0x3FB5] =	sst s0;
	s0 =	simm.s32 @!p1 $0x0  }
0x14: {  	s2 =	sld [smem:$0x3F99];
	s0 =	simm.s32 @p1 $0x1  }
0x15: {  	[smem:$0x3FB6] =	sst s0;
	s0 =	simm.s32 @!p2 $0x0  }
0x16: {  	s3 =	sld [smem:$0x3FDB];
	s0 =	simm.s32 @p2 $0x1  }
0x17: {  	s4 =	simm.s32 $0x1BF5;
	[smem:$0x3FB8] =	sst s0  }
0x18: {  	s0 =	sld [smem:$0x3F9B];
	_ =	swait.ge [sflag:s4], $0x0  }
0x19: {  	s7 =	sld [smem:$0x3F9C]  }
0x1a: {  	s8 =	sadd.s32 $0xFFFFE003, lr  }
0x1b: {  	s9 =	sadd.s32 $0xFFFFFEF7, lr;
	s5 =	simm.s32 $0xFFFFFFFF;
	p2 =	slt.u32 s8, $0xFFFFF086  }
0x1c: {  	p1 =	slt.u32 s9, $0xF7A;
	s5 =	simm.s32 @!p2 $0x0  }
0x1d: {  	s5 =	simm.s32 @p1 $0x1;
	p0 =	seq.s32 s7, s2  }
0x1e: {  	s7 =	smul.u32 @!p0 $0xF7A, s2;
	p2 =	seq.s32 @!p0 s5, $0x0  }
0x1f: {  	s9 =	smul.u32 $0xF7A, s1;
	s8 =	simm.s32 @!p0 $0x1BF5;
	p2 =	por !p2, p0  }
0x20: {  	[sflag:s8] =	ssyncset.s32 @!p0 $0xFFFFF086;
	s6 =	sadd.s32 @!p0 s3, s7;
	s7 =	simm.s32 @!p0 $0x108  }
0x21: {  	s3 =	sadd.s32 s3, s9;
	s6 =	sadd.s32 @!p0 $0x88, s6;
	s7 =	simm.s32 @p2 $0x1082  }
0x22: {  	[simem:s7], [sflag:s8] =	dma.local @!p0 [hbm:s6], $0xF7A  }
0x23: {  	s9 =	sor.u32 $0xD0000000, s2;
	s6 =	simm.s32 $0x108;
	_ =	swait.ge @!p0 [sflag:s8], $0x0  }
0x24: {  	s3 =	sadd.s32 $0x88, s3;
	s6 =	simm.s32 @!p1 $0x1082;
	[sflag:s4] =	ssyncset.s32 $0xFFFFF086  }
0x25: {  	[simem:s6], [sflag:s4] =	dma.local [hbm:s3], $0xF7A  }
0x26: {  	[smem:$0x3F9C] =	sst s1;
	(tag) =	ssettag s2;
	_ =	strace s9  }
0x27: {  	s1 =	sld [smem:$0x3FAC]  }
0x28: {  	s2 =	sld [smem:$0x3FAD]  }
0x29: {  	s4 =	sld [smem:$0x3FAF]  }
0x2a: {  	p0 =	seq.s32 s5, $0x0;
	s5 =	sld [smem:$0x3FB0]  }
0x2b: {  	s6 =	sld [smem:$0x3FB1]  }
0x2c: {  	s7 =	sld [smem:$0x3FB2]  }
0x2d: {  	s3 =	simm.s32 $0x108;
	s8 =	sld [smem:$0x3FB3]  }
0x2e: {  	s3 =	simm.s32 @!p0 $0x1082;
	s9 =	sld [smem:$0x3FB4]  }
0x2f: {  	lr =	sadd.s32 s0, s3;
	s0 =	sld [smem:$0x3FAB]  }
0x30: {  	s3 =	sld [smem:$0x3FAE]  }
0x31: {  	[smem:$0x3FB7] =	sst s10  }
0x32: {  	s10 =	sld [smem:$0x3FB5];
	_ =	sdelay $0x3  }
0x33: {  	p0 =	seq.s32 s10, $0x1;
	s10 =	sld [smem:$0x3FB7];
	_ =	sdelay $0x3  }
0x34: {  	[smem:$0x3FB7] =	sst s10  }
0x35: {  	s10 =	sld [smem:$0x3FB6];
	_ =	sdelay $0x3  }
0x36: {  	p1 =	seq.s32 s10, $0x1;
	s10 =	sld [smem:$0x3FB7];
	_ =	sdelay $0x3  }
0x37: {  	[smem:$0x3FB7] =	sst s10  }
0x38: {  	s10 =	sld [smem:$0x3FB8]  }
0x39: {  	_ = 	snop;
	(pc) =	sbr.ind lr, $3  }
0x3a: {  	_ = 	snop  }
0x3b: {  	_ = 	snop  }
0x3c: {  	p2 =	seq.s32 s10, $0x1;
	s10 =	sld [smem:$0x3FB7]  }
0x3d: {  	_ =	shalt  }
0x3e: {  	_ =	shalt  }
0x3f: {  	_ =	shalt  }
0x40: {  	_ =	shalt  }
0x41: {  	_ =	shalt  }
0x42: {  	_ =	shalt  }
0x43: {  	_ =	shalt  }
0x44: {  	_ =	shalt  }
0x45: {  	_ =	shalt  }
0x46: {  	_ =	shalt  }
0x47: {  	_ =	shalt  }
0x48: {  	_ =	shalt  }
0x49: {  	_ =	shalt  }
0x4a: {  	_ =	shalt  }
0x4b: {  	_ =	shalt  }
0x4c: {  	_ =	shalt  }
0x4d: {  	_ =	shalt  }
0x4e: {  	_ =	shalt  }
0x4f: {  	_ =	shalt  }
0x50: {  	_ =	shalt  }
0x51: {  	_ =	shalt  }
0x52: {  	_ =	shalt  }
0x53: {  	_ =	shalt  }
0x54: {  	_ =	shalt  }
0x55: {  	_ =	shalt  }
0x56: {  	_ =	shalt  }
0x57: {  	_ =	shalt  }
0x58: {  	_ =	shalt  }
0x59: {  	_ =	shalt  }
0x5a: {  	_ =	shalt  }
0x5b: {  	_ =	shalt  }
0x5c: {  	_ =	shalt  }
0x5d: {  	_ =	shalt  }
0x5e: {  	_ =	shalt  }
0x5f: {  	_ =	shalt  }
0x60: {  	_ =	shalt  }
0x61: {  	_ =	shalt  }
0x62: {  	_ =	shalt  }
0x63: {  	_ =	shalt  }
0x64: {  	_ =	shalt  }
0x65: {  	_ =	shalt  }
0x66: {  	_ =	shalt  }
0x67: {  	_ =	shalt  }
0x68: {  	_ =	shalt  }
0x69: {  	_ =	shalt  }
0x6a: {  	_ =	shalt  }
0x6b: {  	_ =	shalt  }
0x6c: {  	_ =	shalt  }
0x6d: {  	_ =	shalt  }
0x6e: {  	_ =	shalt  }
0x6f: {  	_ =	shalt  }
0x70: {  	_ =	shalt  }
0x71: {  	_ =	shalt  }
0x72: {  	_ =	shalt  }
0x73: {  	_ =	shalt  }
0x74: {  	_ =	shalt  }
0x75: {  	_ =	shalt  }
0x76: {  	_ =	shalt  }
0x77: {  	_ =	shalt  }
0x78: {  	_ =	shalt  }
0x79: {  	_ =	shalt  }
0x7a: {  	_ =	shalt  }
0x7b: {  	_ =	shalt  }
0x7c: {  	_ =	shalt  }
0x7d: {  	_ =	shalt  }
0x7e: {  	_ =	shalt  }
0x7f: {  	_ =	shalt  }
0x80: {  	_ =	shalt  }
0x81: {  	_ =	shalt  }
0x82: {  	_ =	shalt  }
0x83: {  	_ =	shalt  }
0x84: {  	_ =	shalt  }
0x85: {  	_ =	shalt  }
0x86: {  	_ =	shalt  }
0x87: {  	_ =	shalt  }
.Lfunc_end0:
.L_simem_size_0:
called_computation.1_lowered:
.L_overlay_start_0:
0x88: {  	s2 =	sld [smem:$0x3FD9]  }
0x89: {  	s3 =	sld [smem:$0x3FFE];
	_ =	sdelay $0x1  }
0x8a: {  	s1 =	srdreg.scid  }
0x8b: {  	s0 =	sand.u32 $0x1, s1  }
0x8c: {  	s17 =	sshll.u32 s0, $0xA;
	s2 =	sadd.s32 s3, s2  }
0x8d: {  	s2 =	sadd.s32 s2, s17  }
0x8e: {  	[smem:$0x3FC3] =	sst s2  }
0x8f: {  	_ = 	snop  }
0x90: {  	s2 =	sld [smem:$0x3FD0];
	(tm) =	ssettm $0x1  }
0x91: {  	s18 =	sld [smem:$0x3FFB];
	_ =	sdelay $0x3  }
0x92: {  	_ =	strace s18  }
0x93: {  	s3 =	sld [smem:$0x3FFC];
	_ =	sdelay $0x3  }
0x94: {  	_ =	strace s3  }
0x95: {  	s3 =	sld [smem:$0x3FFD];
	_ =	sdelay $0x3  }
0x96: {  	_ =	strace s3  }
0x97: {  	_ =	strace $0x8FFFFFFF  }
0x98: {  	s19 =	sld [smem:$0x3FDB];
	_ =	sdelay $0x1  }
0x99: {  	s4 =	simm.s32 $_scs_section_size  }
0x9a: {  	s5 =	simm.s32 $_size__tile_overlayer_lowered;
	s6 =	simm.s32 $_tile_overlayer_lowered  }
0x9b: {  	s22 =	simm.s32 $0x1BFF;
	s21 =	sshll.u32 s6, $0x1;
	s3 =	sadd.s32 s4, s19  }
0x9c: {  	s7 =	simm.s32 $0x0;
	s20 =	sshll.u32 s5, $0x1;
	s5 =	sadd.s32 s21, s3  }
0x9d: {  	[timem:s7], [sflag:s22] =	dma.local [hbm:s5], s20  }
0x9e: {  	_ =	swait.ge [sflag:s22], s20  }
0x9f: {  	s4 =	ssub.s32 $0x0, s20;
	[sflag:s22] =	ssyncset.done $0x0  }
0xa0: {  	[sflag:s22] =	ssyncadd.s32 s4;
	_ =	sdelay $0x1  }
0xa1: {  	s23 =	simm.s32 $0x1B8B  }
0xa2: {  	_ =	swait.ge [sflag:s23], $0x1  }
0xa3: {  	[sflag:s23] =	ssyncset.done $0x0  }
0xa4: {  	s25 =	simm.s32 $0x1B8E;
	s24 =	sld [smem:$0x3FFE];
	[sflag:s23] =	ssyncadd.s32 $0xFFFFFFFF  }
0xa5: {  	s26 =	simm.s32 $execute0_lowered;
	[smem:$0x3FD2] =	sst s25  }
0xa6: {  	s5 =	sshll.u32 s26, $0x1;
	_ =	strace $0x80000046;
	[dreg:$0x1] =	wrdreg $0xFFFFFFFF  }
0xa7: {  	s28 =	simm.s32 $_size_execute0_lowered;
	s3 =	sadd.s32 s3, s5;
	[dreg:$0x0] =	wrdreg $0x0  }
0xa8: {  	s5 =	sshll.u32 s28, $0x1;
	[dreg:$0x2] =	wrdreg s3  }
0xa9: {  	[dreg:$0x3] =	wrdreg s5  }
0xaa: {  	[dreg:$0x4] =	wrdreg $0xC0  }
0xab: {  	_ =	task [dreg:s7], $0x5FFFF  }
0xac: {  	[dreg:$0x1] =	wrdreg $0xFFFFFFFF  }
0xad: {  	[dreg:$0x0] =	wrdreg $0x60  }
0xae: {  	[dreg:$0x2] =	wrdreg s2  }
0xaf: {  	[dreg:$0x3] =	wrdreg s24  }
0xb0: {  	[dreg:$0x4] =	wrdreg $0xC8000  }
0xb1: {  	[dreg:$0x5] =	wrdreg $0x9  }
0xb2: {  	_ =	task.clear_ibuf [dreg:s7], $0x6FFFF;
	_ =	strace $0x90000046  }
0xb3: {  	s29 =	simm.s32 $0x9;
	_ =	strace $0x80000048  }
0xb4: {  	_ =	swait.ge [sflag:s29], $0x1  }
0xb5: {  	[sflag:s29] =	ssyncadd.s32 $0xFFFFFFFF  }
0xb6: {  	_ =	strace $0x90000048  }
0xb7: {  	_ =	sfence  }
0xb8: {  	s30 =	sld [smem:$0x0];
	_ =	sdelay $0x2  }
0xb9: {  	s31 =	sshll.u32 s1, $0xD;
	s1 =	sshrl.u32 s1, $0x2  }
0xba: {  	s3 =	sand.u32 $0x4000, s31;
	s1 =	sadd.s32 s1, s30  }
0xbb: {  	s0 =	sor.u32 s3, s0;
	s1 =	sshll.u32 s1, $0x11  }
0xbc: {  	s0 =	sor.u32 s1, s0  }
0xbd: {  	s0 =	sadd.s32 $0x8F2B, s0  }
0xbe: {  	[sflag:s0] =	ssyncadd.remote.s32 $0x1  }
0xbf: {  	_ =	sfence.sel $0xFFFF  }
0xc0: {  	[dreg:$0x0] =	wrdreg $0xFFFFFFFF;
	(pc) =	sbr.abs _section_cstart, $3  }
0xc1: {  	[dreg:$0x1] =	wrdreg $0xFFFFFFFF  }
0xc2: {  	_ =	task.clear_ibuf [dreg:s7], $0x2FFFF;
	_ =	strace $0x9FFFFFFF  }
0xc3: {  	(tm) =	ssettm $0x7FFFFFFF  }
tec
execute0_lowered:
.L_overlay_start_1:
0x0: {  	(tag) =	ssettag $0x1  }
0x1: {  	s0 =	rddreg [dreg:$0x0];
	s1 =	srdreg.scid  }
0x2: {  	s2 =	stileid.u32;
	s3 =	rddreg [dreg:$0x1]  }
0x3: {  	s7 =	simm.s32 $0x0;
	s5 =	sand.u32 $0x1, s1;
	s1 =	rddreg [dreg:$0x2]  }
0x4: {  	s30 =	simm.s32 $0x40;
	s4 =	sshll.u32 s2, $0x1;
	[smem:$0x7FF] =	sst s7  }
0x5: {  	s21 =	sadd.s32 $0xDD600, s3;
	s9 =	smul.u32 $0x640000, s2;
	p0 =	sne.s32 s2, $0x0  }
0x6: {  	s4 =	sor.u32 s5, s4;
	_ =	strace $0x80000047;
	[dreg:$0x4] =	wrdreg s21  }
0x7: {  	s8 =	ssub.s32 $0x2, s5;
	s11 =	smul.u32 $0x320000, s5;
	s5 =	sadd.s32 $0x1000, s3  }
0x8: {  	s24 =	sadd.s32 $0x2000, s1;
	s26 =	sadd.s32 $0xE00, s1;
	s6 =	smul.u32 $0xC80, s4  }
0x9: {  	s4 =	sadd.s32 $0xF43400, s3;
	s10 =	sshrl.u32 s8, $0x1;
	[dreg:$0x7] =	wrdreg s24  }
0xa: {  	[dreg:$0x8] =	wrdreg s26;
	s26 =	simm.s32 $0x12E40;
	s8 =	ssub.s32 s8, s10  }
0xb: {  	s23 =	sadd.s32 s11, s9;
	s9 =	simm.s32 $0x8;
	s20 =	sadd.s32 s6, s3  }
0xc: {  	s3 =	sadd.s32 $0xDDE00, s3;
	s0 =	sadd.s32 s0, s6;
	s6 =	sadd.s32 $0x3200, s1  }
0xd: {  	s25 =	sor.u32 $0x8000, s23;
	s8 =	smax.u32 s8, $0x1;
	s28 =	sor.u32 $0x4000, s23  }
0xe: {  	s29 =	sor.u32 $0xC000, s23;
	[dreg:$0x5] =	wrdreg s0;
	s22 =	sadd.s32 $0xC4600, s20  }
0xf: {  	[dreg:$0x9] =	wrdreg s8;
	s7 =	sshrl.u32 s25, $0x3;
	s0 =	sshrl.u32 s23, $0x3  }
0x10: {  	s8 =	sshrl.u32 s29, $0x3;
	[dreg:$0x6] =	wrdreg s22;
	s7 =	sadd.s32 s7, s3  }
0x11: {  	s20 =	simm.s32 $0x80;
	s0 =	sadd.s32 s0, s3;
	[dreg:$0xa] =	wrdreg s7  }
0x12: {  	s25 =	simm.s32 $0x9;
	s31 =	sadd.s32 s8, s3;
	[dreg:$0xc] =	wrdreg s0  }
0x13: {  	s7 =	sshrl.u32 s28, $0x3;
	[dreg:$0xd] =	wrdreg s31;
	s0 =	sshrl.u32 @!p0 s1, $0x3  }
0x14: {  	s8 =	simm.s32 $0x4;
	s7 =	sadd.s32 s7, s3;
	[dreg:$0xe] =	wrdreg s0  }
0x15: {  	s0 =	sshrl.u32 @!p0 s6, $0x3;
	s6 =	simm.s32 $0x7;
	[dreg:$0xb] =	wrdreg s7  }
0x16: {  	s3 =	simm.s32 $0x0;
	[dreg:$0xf] =	wrdreg s0;
	s7 =	simm.s32 $0xB  }
.LBB2_1:
0x17: {  	[dreg:$0x10] =	wrdreg s3  }
0x18: {  	s0 =	simm.s32 $0x0;
	s2 =	rddreg [dreg:$0x5];
	s11 =	simm.s32 $0xD  }
0x19: {  	[tilespmem:s0], [sflag:$0xD] =	stream.linear.gather [hbm4b:s2+s0], $0x6400, $0x38;
	[tilespmem:$0x14E40] =	vst v63  }
0x1a: {  	_ =	swait.ge [sflag:s11], $0x6400  }
0x1b: {  	[sflag:s11] =	ssyncset.done $0x0  }
0x1c: {  	s12 =	simm.s32 $0x6400;
	s21 =	rddreg [dreg:$0x6];
	[sflag:s11] =	ssyncadd.s32 $0xFFFF9C00  }
0x1d: {  	[tilespmem:s12], [sflag:$0xD] =	stream.linear.gather [hbm4b:s21+s0], $0x6400, $0x38;
	[tilespmem:$0x14E40] =	vst v63  }
0x1e: {  	_ =	swait.ge [sflag:s11], $0x6400  }
0x1f: {  	[sflag:s11] =	ssyncset.done $0x0;
	s10 =	rddreg [dreg:$0x4]  }
0x20: {  	s2 =	simm.s32 @!p0 $0x1C0D;
	s3 =	rddreg [dreg:$0xe];
	[sflag:s11] =	ssyncadd.s32 $0xFFFF9C00  }
0x21: {  	[spmem:s3], [sflag:s2] =	dma.local @!p0 [hbm:s10], $0x640  }
0x22: {  	s3 =	simm.s32 @!p0 $0xD  }
0x23: {  	_ =	swait.ge @!p0 [sflag:s3], $0x640  }
0x24: {  	[sflag:s3] =	ssyncset.done @!p0 $0x0  }
0x25: {  	s13 =	rddreg [dreg:$0xf];
	[sflag:s3] =	ssyncadd.s32 @!p0 $0xFFFFF9C0  }
0x26: {  	[spmem:s13], [sflag:s2] =	dma.local @!p0 [hbm:s10], $0x640  }
0x27: {  	_ =	swait.ge @!p0 [sflag:s3], $0x640  }
0x28: {  	[sflag:s3] =	ssyncset.done @!p0 $0x0  }
0x29: {  	[sflag:s3] =	ssyncadd.s32 @!p0 $0xFFFFF9C0  }
0x2a: {  	s22 =	simm.s32 $0xCE40;
	[bflag:$0x0] =	sbarrier.arrive $0xFFFF  }
0x2b: {  	[tilespmem:s22], [sflag:$0xD] =	stream.linear.gather [spmem:s1], $0x2000, $0x38;
	[tilespmem:$0x14E40] =	vst v63  }
0x2c: {  	_ =	swait.ge [sflag:s11], $0x2000  }
0x2d: {  	[sflag:s11] =	ssyncset.done $0x0  }
0x2e: {  	[sflag:s11] =	ssyncadd.s32 $0xFFFFE000  }
0x2f: {  	[tilespmem:s22], [sflag:$0x1] =	stream.indirect.gather.add.f32 [hbm:s4], $0x40, s0, s20, $0xb8;
	[tilespmem:$0x14E40] =	vst v63  }
0x30: {  	_ = 	snop  }
0x31: {  	[tilespmem:s22], [sflag:$0x5] =	stream.indirect.gather.add.f32 [hbm:s5], $0x40, s12, s20, $0xb8;
	[tilespmem:$0x14E40] =	vst v63  }
0x32: {  	s13 =	simm.s32 $0xEE40;
	s24 =	rddreg [dreg:$0x7]  }
0x33: {  	[tilespmem:s13], [sflag:$0xD] =	stream.linear.gather [spmem:s24], $0x2000, $0x38;
	[tilespmem:$0x14E40] =	vst v63  }
0x34: {  	_ =	swait.ge [sflag:s11], $0x2000  }
0x35: {  	[sflag:s11] =	ssyncset.done $0x0  }
0x36: {  	[sflag:s11] =	ssyncadd.s32 $0xFFFFE000  }
0x37: {  	[tilespmem:s13], [sflag:$0x2] =	stream.indirect.gather.add.f32 [hbm:s4], $0x40, s20, s20, $0xb8;
	[tilespmem:$0x14E40] =	vst v63  }
0x38: {  	s31 =	simm.s32 $0x6480  }
0x39: {  	[tilespmem:s13], [sflag:$0x6] =	stream.indirect.gather.add.f32 [hbm:s5], $0x40, s31, s20, $0xb8;
	[tilespmem:$0x14E40] =	vst v63  }
0x3a: {  	s17 =	simm.s32 $0x10E40;
	s12 =	simm.s32 $0x180;
	s2 =	rddreg [dreg:$0x8]  }
0x3b: {  	[tilespmem:s17], [sflag:$0xD] =	stream.linear.gather [spmem:s2], $0x2000, $0x38;
	[tilespmem:$0x14E40] =	vst v63  }
0x3c: {  	s2 =	sand.u32 $0xFFF8, s12;
	_ =	swait.ge [sflag:s11], $0x2000  }
0x3d: {  	s2 =	sshrl.u32 s2, $0x3;
	[sflag:s11] =	ssyncset.done $0x0  }
0x3e: {  	s3 =	simm.s32 $0x100;
	s2 =	smul.u32 $0x147B, s2;
	[sflag:s11] =	ssyncadd.s32 $0xFFFFE000  }
0x3f: {  	[tilespmem:s17], [sflag:$0x3] =	stream.indirect.gather.add.f32 [hbm:s4], $0x40, s3, s20, $0xb8;
	[tilespmem:$0x14E40] =	vst v63  }
0x40: {  	s2 =	sshrl.u32 s2, $0x11  }
0x41: {  	s14 =	simm.s32 $0x6500;
	p1 =	por $0x1, $0x1;
	s2 =	smul.u32 $0xC8, s2  }
0x42: {  	[tilespmem:s17], [sflag:$0x7] =	stream.indirect.gather.add.f32 [hbm:s5], $0x40, s14, s20, $0xb8;
	[tilespmem:$0x14E40] =	vst v63  }
0x43: {  	s3 =	simm.s32 @!p1 $0xC;
	s2 =	ssub.s32 $0x180, s2  }
0x44: {  	_ =	swait.ge @!p1 [sflag:s3], $0x2000;
	s2 =	sshll.u32 s2, $0x6  }
0x45: {  	[sflag:s3] =	ssyncset.done @!p1 $0x0;
	s2 =	sand.u32 $0x3FC0, s2  }
0x46: {  	[sflag:s3] =	ssyncadd.s32 @!p1 $0xFFFFE000;
	s2 =	sadd.s32 s2, s1  }
0x47: {  	[tilespmem:s26], [sflag:$0xD] =	stream.linear.gather [spmem:s2], $0x2000, $0x38;
	[tilespmem:$0x14E40] =	vst v63  }
0x48: {  	p1 =	por $0x0, $0x0;
	_ =	swait.ge [sflag:s11], $0x2000  }
0x49: {  	s2 =	simm.s32 @!p1 $0x200;
	[sflag:s11] =	ssyncset.done $0x0  }
0x4a: {  	s15 =	simm.s32 $0x180;
	s2 =	sand.u32 @!p1 $0xFFF8, s2;
	[sflag:s11] =	ssyncadd.s32 $0xFFFFE000  }
0x4b: {  	[tilespmem:s26], [sflag:$0x4] =	stream.indirect.gather.add.f32 [hbm:s4], $0x40, s15, s20, $0xb8;
	[tilespmem:$0x14E40] =	vst v63  }
0x4c: {  	s16 =	simm.s32 $0x6580;
	s18 =	simm.s32 $0x1;
	s2 =	sshrl.u32 @!p1 s2, $0x3  }
0x4d: {  	[tilespmem:s26], [sflag:$0x8] =	stream.indirect.gather.add.f32 [hbm:s5], $0x40, s16, s20, $0xb8;
	[tilespmem:$0x14E40] =	vst v63  }
0x4e: {  	s2 =	smul.u32 @!p1 $0x147B, s2;
	_ =	swait.ge [sflag:s18], $0x2000  }
0x4f: {  	[sflag:s18] =	ssyncset.done $0x0  }
0x50: {  	s19 =	simm.s32 $0x5;
	s2 =	sshrl.u32 @!p1 s2, $0x11;
	[sflag:s18] =	ssyncadd.s32 $0xFFFFE000  }
0x51: {  	s2 =	smul.u32 @!p1 $0xC8, s2;
	_ =	swait.ge [sflag:s19], $0x2000  }
0x52: {  	s21 =	simm.s32 $0x9;
	[sflag:s19] =	ssyncset.done $0x0  }
0x53: {  	s2 =	ssub.s32 @!p1 $0x200, s2;
	s23 =	rddreg [dreg:$0xc];
	[sflag:s19] =	ssyncadd.s32 $0xFFFFE000  }
0x54: {  	[hbm4b:s23+s30] =	stream.strided.scatter [tilespmem:s22], [sflag:$0x9], $0x2000, s20, s30, $0x38;
	[tilespmem:$0x14E40] =	vst v63  }
0x55: {  	s2 =	sshll.u32 @!p1 s2, $0x6;
	_ =	swait.ge [sflag:s21], $0x2000  }
0x56: {  	s12 =	simm.s32 @!p1 $0xD;
	s2 =	sand.u32 @!p1 $0x3FC0, s2;
	[sflag:s21] =	ssyncset.done $0x0  }
0x57: {  	s3 =	simm.s32 @!p1 $0xCE40;
	s2 =	sadd.s32 @!p1 s2, s1;
	[sflag:s21] =	ssyncadd.s32 $0xFFFFE000  }
0x58: {  	[tilespmem:s3], [sflag:$0xD] =	stream.linear.gather @!p1 [spmem:s2], $0x2000, $0x38;
	[tilespmem:$0x14E40] =	vst v63  }
0x59: {  	_ =	swait.ge @!p1 [sflag:s12], $0x2000  }
0x5a: {  	s10 =	simm.s32 @!p1 $0x200;
	s2 =	simm.s32 @!p1 $0x280;
	[sflag:s12] =	ssyncset.done @!p1 $0x0  }
0x5b: {  	s14 =	simm.s32 @!p1 $0x80;
	s2 =	sand.u32 @!p1 $0xFFF8, s2;
	[sflag:s12] =	ssyncadd.s32 @!p1 $0xFFFFE000  }
0x5c: {  	[tilespmem:s3], [sflag:$0x1] =	stream.indirect.gather.add.f32 @!p1 [hbm:s4], $0x40, s10, s14, $0xb8;
	[tilespmem:$0x14E40] =	vst v63  }
0x5d: {  	s22 =	simm.s32 $0x2;
	s2 =	sshrl.u32 @!p1 s2, $0x3;
	s10 =	simm.s32 @!p1 $0x6600  }
0x5e: {  	[tilespmem:s3], [sflag:$0x5] =	stream.indirect.gather.add.f32 @!p1 [hbm:s5], $0x40, s10, s14, $0xb8;
	[tilespmem:$0x14E40] =	vst v63  }
0x5f: {  	s2 =	smul.u32 @!p1 $0x147B, s2;
	_ =	swait.ge [sflag:s22], $0x2000  }
0x60: {  	[sflag:s22] =	ssyncset.done $0x0  }
0x61: {  	s24 =	simm.s32 $0x6;
	s2 =	sshrl.u32 @!p1 s2, $0x11;
	[sflag:s22] =	ssyncadd.s32 $0xFFFFE000  }
0x62: {  	s2 =	smul.u32 @!p1 $0xC8, s2;
	_ =	swait.ge [sflag:s24], $0x2000  }
0x63: {  	s31 =	simm.s32 $0xA;
	[sflag:s24] =	ssyncset.done $0x0  }
0x64: {  	s2 =	ssub.s32 @!p1 $0x280, s2;
	s22 =	rddreg [dreg:$0xb];
	[sflag:s24] =	ssyncadd.s32 $0xFFFFE000  }
0x65: {  	[hbm4b:s22+s30] =	stream.strided.scatter [tilespmem:s13], [sflag:$0xA], $0x2000, s20, s30, $0x38;
	[tilespmem:$0x14E40] =	vst v63  }
0x66: {  	s2 =	sshll.u32 @!p1 s2, $0x6;
	_ =	swait.ge [sflag:s31], $0x2000  }
0x67: {  	s2 =	sand.u32 @!p1 $0x3FC0, s2;
	[sflag:s31] =	ssyncset.done $0x0  }
0x68: {  	s3 =	simm.s32 @!p1 $0xEE40;
	s2 =	sadd.s32 @!p1 s2, s1;
	[sflag:s31] =	ssyncadd.s32 $0xFFFFE000  }
0x69: {  	[tilespmem:s3], [sflag:$0xD] =	stream.linear.gather @!p1 [spmem:s2], $0x2000, $0x38;
	[tilespmem:$0x14E40] =	vst v63  }
0x6a: {  	s2 =	simm.s32 $0x300;
	_ =	swait.ge @!p1 [sflag:s12], $0x2000  }
0x6b: {  	p3 =	por $0x0, $0x0;
	s2 =	sand.u32 @!p1 $0xFFF8, s2;
	[sflag:s12] =	ssyncset.done @!p1 $0x0  }
0x6c: {  	s10 =	simm.s32 @!p1 $0x280;
	s2 =	sshrl.u32 @!p1 s2, $0x3;
	[sflag:s12] =	ssyncadd.s32 @!p1 $0xFFFFE000  }
0x6d: {  	[tilespmem:s3], [sflag:$0x2] =	stream.indirect.gather.add.f32 @!p1 [hbm:s4], $0x40, s10, s14, $0xb8;
	[tilespmem:$0x14E40] =	vst v63  }
0x6e: {  	s28 =	simm.s32 @!p1 $0x10E40;
	s2 =	smul.u32 @!p1 $0x147B, s2;
	s10 =	simm.s32 @!p1 $0x6680  }
0x6f: {  	[tilespmem:s3], [sflag:$0x6] =	stream.indirect.gather.add.f32 @!p1 [hbm:s5], $0x40, s10, s14, $0xb8;
	[tilespmem:$0x14E40] =	vst v63  }
0x70: {  	s11 =	simm.s32 $0x1000;
	s15 =	simm.s32 $0x380;
	s3 =	simm.s32 $0x3  }
0x71: {  	s16 =	simm.s32 @!p1 $0x300;
	s2 =	sshrl.u32 @!p1 s2, $0x11;
	_ =	swait.ge [sflag:s3], $0x2000  }
0x72: {  	s18 =	simm.s32 $0x500;
	s2 =	smul.u32 @!p1 $0xC8, s2;
	[sflag:s3] =	ssyncset.done $0x0  }
0x73: {  	s21 =	simm.s32 @!p1 $0x6700;
	s13 =	simm.s32 $0x800;
	[sflag:s3] =	ssyncadd.s32 $0xFFFFE000  }
0x74: {  	s31 =	sand.u32 $0xFFF8, s15;
	s2 =	ssub.s32 @!p1 $0x300, s2;
	_ =	swait.ge [sflag:s6], $0x2000  }
0x75: {  	s2 =	sshll.u32 @!p1 s2, $0x6;
	s3 =	sshrl.u32 s31, $0x3;
	[sflag:s6] =	ssyncset.done $0x0  }
0x76: {  	s2 =	sand.u32 @!p1 $0x3FC0, s2;
	s10 =	rddreg [dreg:$0xa];
	[sflag:s6] =	ssyncadd.s32 $0xFFFFE000  }
0x77: {  	[hbm4b:s10+s30] =	stream.strided.scatter [tilespmem:s17], [sflag:$0xB], $0x2000, s20, s30, $0x38;
	[tilespmem:$0x14E40] =	vst v63  }
0x78: {  	s19 =	smul.u32 $0x147B, s3;
	s3 =	sadd.s32 $0x2000, s23;
	_ =	swait.ge [sflag:s7], $0x2000  }
0x79: {  	s2 =	sadd.s32 @!p1 s2, s1;
	[sflag:s7] =	ssyncset.done $0x0;
	s24 =	rddreg [dreg:$0xd]  }
0x7a: {  	s29 =	sshrl.u32 s19, $0x11;
	[sflag:s7] =	ssyncadd.s32 $0xFFFFE000;
	s17 =	sadd.s32 $0x2000, s24  }
0x7b: {  	[tilespmem:s28], [sflag:$0xD] =	stream.linear.gather @!p1 [spmem:s2], $0x2000, $0x38;
	[tilespmem:$0x14E40] =	vst v63  }
0x7c: {  	s19 =	smov.u32 s24;
	s2 =	sadd.s32 $0x2000, s10;
	s10 =	sadd.s32 $0x2000, s22  }
.LBB2_2:
0x7d: {  	s31 =	simm.s32 @!p3 $0xC;
	s29 =	smul.u32 $0xC8, s29;
	_ =	swait.ge @!p1 [sflag:s12], $0x2000  }
0x7e: {  	s23 =	smov.u32 s11;
	s11 =	sadd.s32 $0x800, s11;
	[sflag:s12] =	ssyncset.done @!p1 $0x0  }
0x7f: {  	p2 =	sne.s32 s11, $0x19000;
	s15 =	ssub.s32 s15, s29;
	[sflag:s12] =	ssyncadd.s32 @!p1 $0xFFFFE000  }
0x80: {  	[tilespmem:s28], [sflag:$0x3] =	stream.indirect.gather.add.f32 @!p1 [hbm:s4], $0x40, s16, s14, $0xb8;
	[tilespmem:$0x14E40] =	vst v63  }
0x81: {  	s12 =	sshll.u32 s15, $0x6  }
0x82: {  	[tilespmem:s28], [sflag:$0x7] =	stream.indirect.gather.add.f32 @!p1 [hbm:s5], $0x40, s21, s14, $0xb8;
	[tilespmem:$0x14E40] =	vst v63  }
0x83: {  	s12 =	sand.u32 $0x3FC0, s12;
	_ =	swait.ge [sflag:s8], $0x2000  }
0x84: {  	s22 =	simm.s32 $0xD;
	s14 =	sshra.s32 s13, $0x2;
	[sflag:s8] =	ssyncset.done $0x0  }
0x85: {  	p1 =	seq.s32 s13, $0x18800;
	s16 =	sadd.s32 $0x180, s14;
	[sflag:s8] =	ssyncadd.s32 $0xFFFFE000  }
0x86: {  	s13 =	sshra.s32 @!p1 s13, $0x2;
	s15 =	sand.u32 @!p1 $0xFFF8, s18;
	_ =	swait.ge [sflag:s9], $0x2000  }
0x87: {  	s21 =	sadd.s32 @!p1 $0xFFFFFF00, s18;
	s15 =	sshrl.u32 @!p1 s15, $0x3;
	[sflag:s9] =	ssyncset.done $0x0  }
0x88: {  	s12 =	sadd.s32 s12, s1;
	s28 =	sand.u32 @!p1 $0xFFF8, s21;
	[sflag:s9] =	ssyncadd.s32 $0xFFFFE000  }
0x89: {  	[hbm4b:s19+s30] =	stream.strided.scatter [tilespmem:s26], [sflag:$0xC], $0x2000, s20, s30, $0x38;
	[tilespmem:$0x14E40] =	vst v63  }
0x8a: {  	s29 =	smul.u32 @!p1 $0x147B, s15;
	s19 =	sadd.s32 @!p1 $0xFFFFFF80, s18;
	_ =	swait.ge @!p3 [sflag:s31], $0x2000  }
0x8b: {  	s15 =	sshrl.u32 @!p1 s28, $0x3;
	s28 =	sand.u32 @!p1 $0xFFF8, s19;
	[sflag:s31] =	ssyncset.done @!p3 $0x0  }
0x8c: {  	s0 =	sshrl.u32 @!p1 s28, $0x3;
	[sflag:s31] =	ssyncadd.s32 @!p3 $0xFFFFE000;
	s31 =	smul.u32 @!p1 $0x147B, s15  }
0x8d: {  	s14 =	sadd.s32 $0x6580, s14;
	s28 =	sadd.s32 @!p1 $0x200, s13;
	s0 =	smul.u32 @!p1 $0x147B, s0  }
0x8e: {  	[tilespmem:s26], [sflag:$0xD] =	stream.linear.gather [spmem:s12], $0x2000, $0x38;
	[tilespmem:$0x14E40] =	vst v63  }
0x8f: {  	s15 =	sadd.s32 @!p1 $0x280, s13;
	_ =	swait.ge [sflag:s22], $0x2000;
	s12 =	sshrl.u32 @!p1 s31, $0x11  }
0x90: {  	s0 =	sshrl.u32 @!p1 s0, $0x11;
	[sflag:s22] =	ssyncset.done $0x0;
	s12 =	smul.u32 @!p1 $0xC8, s12  }
0x91: {  	s29 =	sshrl.u32 @!p1 s29, $0x11;
	s0 =	smul.u32 @!p1 $0xC8, s0;
	[sflag:s22] =	ssyncadd.s32 $0xFFFFE000  }
0x92: {  	[tilespmem:s26], [sflag:$0x4] =	stream.indirect.gather.add.f32 [hbm:s4], $0x40, s16, s20, $0xb8;
	[tilespmem:$0x14E40] =	vst v63  }
0x93: {  	s31 =	sadd.s32 @!p1 $0x6600, s13;
	s22 =	simm.s32 @!p1 $0xCE40;
	s12 =	ssub.s32 @!p1 s21, s12  }
0x94: {  	s16 =	simm.s32 $0x1;
	s0 =	ssub.s32 @!p1 s19, s0;
	s12 =	sshll.u32 @!p1 s12, $0x6  }
0x95: {  	[tilespmem:s26], [sflag:$0x8] =	stream.indirect.gather.add.f32 [hbm:s5], $0x40, s14, s20, $0xb8;
	[tilespmem:$0x14E40] =	vst v63  }
0x96: {  	s14 =	sand.u32 @!p1 $0x3FC0, s12;
	s12 =	simm.s32 @!p1 $0xD;
	_ =	swait.ge [sflag:s16], $0x2000  }
0x97: {  	s19 =	smul.u32 @!p1 $0xC8, s29;
	s14 =	sadd.s32 @!p1 s14, s1;
	[sflag:s16] =	ssyncset.done $0x0  }
0x98: {  	s21 =	simm.s32 $0x5;
	s29 =	sadd.s32 @!p1 $0x6680, s13;
	[sflag:s16] =	ssyncadd.s32 $0xFFFFE000  }
0x99: {  	s0 =	sshll.u32 @!p1 s0, $0x6;
	s16 =	sadd.s32 @!p1 $0x300, s13;
	_ =	swait.ge [sflag:s21], $0x2000  }
0x9a: {  	s0 =	sand.u32 @!p1 $0x3FC0, s0;
	s19 =	ssub.s32 @!p1 s18, s19;
	[sflag:s21] =	ssyncset.done $0x0  }
0x9b: {  	s0 =	sadd.s32 @!p1 s0, s1;
	[sflag:s21] =	ssyncadd.s32 $0xFFFFE000;
	s21 =	simm.s32 $0xCE40  }
0x9c: {  	[hbm4b:s3+s30] =	stream.strided.scatter [tilespmem:s21], [sflag:$0x9], $0x2000, s20, s30, $0x38;
	[tilespmem:$0x14E40] =	vst v63  }
0x9d: {  	s19 =	sshll.u32 @!p1 s19, $0x6;
	s21 =	sadd.s32 @!p1 $0x6700, s13;
	_ =	swait.ge [sflag:s25], $0x2000  }
0x9e: {  	s24 =	sand.u32 @!p1 $0x3FC0, s19;
	s13 =	smov.u32 s23;
	[sflag:s25] =	ssyncset.done $0x0  }
0x9f: {  	s19 =	smov.u32 s17;
	[sflag:s25] =	ssyncadd.s32 $0xFFFFE000  }
0xa0: {  	[tilespmem:s22], [sflag:$0xD] =	stream.linear.gather @!p1 [spmem:s14], $0x2000, $0x38;
	[tilespmem:$0x14E40] =	vst v63  }
0xa1: {  	s23 =	sadd.s32 @!p1 s24, s1;
	_ =	swait.ge @!p1 [sflag:s12], $0x2000  }
0xa2: {  	[sflag:s12] =	ssyncset.done @!p1 $0x0  }
0xa3: {  	s14 =	simm.s32 @!p1 $0x80;
	[sflag:s12] =	ssyncadd.s32 @!p1 $0xFFFFE000  }
0xa4: {  	[tilespmem:s22], [sflag:$0x1] =	stream.indirect.gather.add.f32 @!p1 [hbm:s4], $0x40, s28, s14, $0xb8;
	[tilespmem:$0x14E40] =	vst v63  }
0xa5: {  	s24 =	simm.s32 $0x2  }
0xa6: {  	[tilespmem:s22], [sflag:$0x5] =	stream.indirect.gather.add.f32 @!p1 [hbm:s5], $0x40, s31, s14, $0xb8;
	[tilespmem:$0x14E40] =	vst v63  }
0xa7: {  	_ =	swait.ge [sflag:s24], $0x2000  }
0xa8: {  	s22 =	simm.s32 @!p1 $0xEE40;
	[sflag:s24] =	ssyncset.done $0x0  }
0xa9: {  	[sflag:s24] =	ssyncadd.s32 $0xFFFFE000;
	s24 =	simm.s32 $0x6  }
0xaa: {  	_ =	swait.ge [sflag:s24], $0x2000  }
0xab: {  	[sflag:s24] =	ssyncset.done $0x0  }
0xac: {  	[sflag:s24] =	ssyncadd.s32 $0xFFFFE000;
	s24 =	simm.s32 $0xEE40  }
0xad: {  	[hbm4b:s10+s30] =	stream.strided.scatter [tilespmem:s24], [sflag:$0xA], $0x2000, s20, s30, $0x38;
	[tilespmem:$0x14E40] =	vst v63  }
0xae: {  	s24 =	simm.s32 $0xA  }
0xaf: {  	_ =	swait.ge [sflag:s24], $0x2000  }
0xb0: {  	[sflag:s24] =	ssyncset.done $0x0  }
0xb1: {  	[sflag:s24] =	ssyncadd.s32 $0xFFFFE000  }
0xb2: {  	[tilespmem:s22], [sflag:$0xD] =	stream.linear.gather @!p1 [spmem:s0], $0x2000, $0x38;
	[tilespmem:$0x14E40] =	vst v63  }
0xb3: {  	_ =	swait.ge @!p1 [sflag:s12], $0x2000  }
0xb4: {  	[sflag:s12] =	ssyncset.done @!p1 $0x0  }
0xb5: {  	[sflag:s12] =	ssyncadd.s32 @!p1 $0xFFFFE000  }
0xb6: {  	[tilespmem:s22], [sflag:$0x2] =	stream.indirect.gather.add.f32 @!p1 [hbm:s4], $0x40, s15, s14, $0xb8;
	[tilespmem:$0x14E40] =	vst v63  }
0xb7: {  	s0 =	simm.s32 $0x3  }
0xb8: {  	[tilespmem:s22], [sflag:$0x6] =	stream.indirect.gather.add.f32 @!p1 [hbm:s5], $0x40, s29, s14, $0xb8;
	[tilespmem:$0x14E40] =	vst v63  }
0xb9: {  	_ =	swait.ge [sflag:s0], $0x2000  }
0xba: {  	s28 =	simm.s32 @!p1 $0x10E40;
	[sflag:s0] =	ssyncset.done $0x0  }
0xbb: {  	s18 =	sadd.s32 $0x200, s18;
	[sflag:s0] =	ssyncadd.s32 $0xFFFFE000  }
0xbc: {  	s15 =	sadd.s32 $0xFFFFFE80, s18;
	_ =	swait.ge [sflag:s6], $0x2000  }
0xbd: {  	s17 =	sadd.s32 $0x2000, s17;
	s0 =	sand.u32 $0xFFF8, s15;
	[sflag:s6] =	ssyncset.done $0x0  }
0xbe: {  	s22 =	simm.s32 $0x10E40;
	s0 =	sshrl.u32 s0, $0x3;
	[sflag:s6] =	ssyncadd.s32 $0xFFFFE000  }
0xbf: {  	[hbm4b:s2+s30] =	stream.strided.scatter [tilespmem:s22], [sflag:$0xB], $0x2000, s20, s30, $0x38;
	[tilespmem:$0x14E40] =	vst v63  }
.Ltmp0:
0xc0: {  	_ = 	snop;
	(pc) =	sbr.rel @p2 .LBB2_2-.Ltmp0, $4  }
0xc1: {  	s3 =	sadd.s32 $0x2000, s3;
	s0 =	smul.u32 $0x147B, s0;
	_ =	swait.ge [sflag:s7], $0x2000  }
0xc2: {  	s10 =	sadd.s32 $0x2000, s10;
	s2 =	sadd.s32 $0x2000, s2;
	[sflag:s7] =	ssyncset.done $0x0  }
0xc3: {  	p3 =	seq.s32 s13, $0x0;
	s29 =	sshrl.u32 s0, $0x11;
	[sflag:s7] =	ssyncadd.s32 $0xFFFFE000  }
0xc4: {  	[tilespmem:s28], [sflag:$0xD] =	stream.linear.gather @!p1 [spmem:s23], $0x2000, $0x38;
	[tilespmem:$0x14E40] =	vst v63  }
0xc5: {  	_ =	swait.ge @!p1 [sflag:s12], $0x2000  }
0xc6: {  	[sflag:s12] =	ssyncset.done @!p1 $0x0  }
0xc7: {  	[sflag:s12] =	ssyncadd.s32 @!p1 $0xFFFFE000  }
0xc8: {  	[tilespmem:s28], [sflag:$0x3] =	stream.indirect.gather.add.f32 @!p1 [hbm:s4], $0x40, s16, s14, $0xb8;
	[tilespmem:$0x14E40] =	vst v63  }
0xc9: {  	_ = 	snop  }
0xca: {  	[tilespmem:s28], [sflag:$0x7] =	stream.indirect.gather.add.f32 @!p1 [hbm:s5], $0x40, s21, s14, $0xb8;
	[tilespmem:$0x14E40] =	vst v63  }
0xcb: {  	_ =	swait.ge [sflag:s8], $0x2000  }
0xcc: {  	[sflag:s8] =	ssyncset.done $0x0  }
0xcd: {  	[sflag:s8] =	ssyncadd.s32 $0xFFFFE000  }
0xce: {  	s0 =	smul.u32 $0xC8, s29;
	_ =	swait.ge [sflag:s9], $0x2000  }
0xcf: {  	[sflag:s9] =	ssyncset.done $0x0  }
0xd0: {  	s11 =	simm.s32 @!p3 $0xC;
	s0 =	ssub.s32 s15, s0;
	[sflag:s9] =	ssyncadd.s32 $0xFFFFE000  }
0xd1: {  	[hbm4b:s19+s30] =	stream.strided.scatter [tilespmem:s26], [sflag:$0xC], $0x2000, s20, s30, $0x38;
	[tilespmem:$0x14E40] =	vst v63  }
0xd2: {  	s0 =	sshll.u32 s0, $0x6;
	_ =	swait.ge @!p3 [sflag:s11], $0x2000  }
0xd3: {  	s0 =	sand.u32 $0x3FC0, s0;
	[sflag:s11] =	ssyncset.done @!p3 $0x0  }
0xd4: {  	s23 =	simm.s32 $0xD;
	s0 =	sadd.s32 s0, s1;
	[sflag:s11] =	ssyncadd.s32 @!p3 $0xFFFFE000  }
0xd5: {  	[tilespmem:s26], [sflag:$0xD] =	stream.linear.gather [spmem:s0], $0x2000, $0x38;
	[tilespmem:$0x14E40] =	vst v63  }
0xd6: {  	p1 =	seq.s32 s13, $0x18800;
	_ =	swait.ge [sflag:s23], $0x2000  }
0xd7: {  	s24 =	sshra.s32 s13, $0x2;
	s12 =	sadd.s32 @!p1 $0xFFFFFF00, s18;
	[sflag:s23] =	ssyncset.done $0x0  }
0xd8: {  	s28 =	sadd.s32 $0x180, s24;
	s11 =	sand.u32 @!p1 $0xFFF8, s12;
	[sflag:s23] =	ssyncadd.s32 $0xFFFFE000  }
0xd9: {  	[tilespmem:s26], [sflag:$0x4] =	stream.indirect.gather.add.f32 [hbm:s4], $0x40, s28, s20, $0xb8;
	[tilespmem:$0x14E40] =	vst v63  }
0xda: {  	s29 =	simm.s32 $0x1;
	s11 =	sshrl.u32 @!p1 s11, $0x3;
	s0 =	sadd.s32 $0x6580, s24  }
0xdb: {  	[tilespmem:s26], [sflag:$0x8] =	stream.indirect.gather.add.f32 [hbm:s5], $0x40, s0, s20, $0xb8;
	[tilespmem:$0x14E40] =	vst v63  }
0xdc: {  	s0 =	smul.u32 @!p1 $0x147B, s11;
	_ =	swait.ge [sflag:s29], $0x2000  }
0xdd: {  	[sflag:s29] =	ssyncset.done $0x0  }
0xde: {  	s31 =	simm.s32 $0x5;
	s0 =	sshrl.u32 @!p1 s0, $0x11;
	[sflag:s29] =	ssyncadd.s32 $0xFFFFE000  }
0xdf: {  	s0 =	smul.u32 @!p1 $0xC8, s0;
	_ =	swait.ge [sflag:s31], $0x2000  }
0xe0: {  	s15 =	simm.s32 $0x9;
	[sflag:s31] =	ssyncset.done $0x0  }
0xe1: {  	s14 =	simm.s32 $0xCE40;
	s0 =	ssub.s32 @!p1 s12, s0;
	[sflag:s31] =	ssyncadd.s32 $0xFFFFE000  }
0xe2: {  	[hbm4b:s3+s30] =	stream.strided.scatter [tilespmem:s14], [sflag:$0x9], $0x2000, s20, s30, $0x38;
	[tilespmem:$0x14E40] =	vst v63  }
0xe3: {  	s0 =	sshll.u32 @!p1 s0, $0x6;
	_ =	swait.ge [sflag:s15], $0x2000  }
0xe4: {  	s12 =	simm.s32 @!p1 $0xCE40;
	s0 =	sand.u32 @!p1 $0x3FC0, s0;
	[sflag:s15] =	ssyncset.done $0x0  }
0xe5: {  	s3 =	simm.s32 @!p1 $0xD;
	s0 =	sadd.s32 @!p1 s0, s1;
	[sflag:s15] =	ssyncadd.s32 $0xFFFFE000  }
0xe6: {  	[tilespmem:s12], [sflag:$0xD] =	stream.linear.gather @!p1 [spmem:s0], $0x2000, $0x38;
	[tilespmem:$0x14E40] =	vst v63  }
0xe7: {  	_ =	swait.ge @!p1 [sflag:s3], $0x2000  }
0xe8: {  	s11 =	sshra.s32 @!p1 s13, $0x2;
	[sflag:s3] =	ssyncset.done @!p1 $0x0  }
0xe9: {  	s13 =	simm.s32 @!p1 $0x80;
	s0 =	sadd.s32 @!p1 $0x200, s11;
	[sflag:s3] =	ssyncadd.s32 @!p1 $0xFFFFE000  }
0xea: {  	[tilespmem:s12], [sflag:$0x1] =	stream.indirect.gather.add.f32 @!p1 [hbm:s4], $0x40, s0, s13, $0xb8;
	[tilespmem:$0x14E40] =	vst v63  }
0xeb: {  	s0 =	sadd.s32 @!p1 $0x6600, s11  }
0xec: {  	[tilespmem:s12], [sflag:$0x5] =	stream.indirect.gather.add.f32 @!p1 [hbm:s5], $0x40, s0, s13, $0xb8;
	[tilespmem:$0x14E40] =	vst v63  }
0xed: {  	s16 =	simm.s32 $0x2;
	s0 =	sadd.s32 @!p1 $0xFFFFFF80, s18  }
0xee: {  	s12 =	sand.u32 @!p1 $0xFFF8, s0;
	_ =	swait.ge [sflag:s16], $0x2000  }
0xef: {  	s12 =	sshrl.u32 @!p1 s12, $0x3;
	[sflag:s16] =	ssyncset.done $0x0  }
0xf0: {  	s19 =	simm.s32 $0x6;
	s12 =	smul.u32 @!p1 $0x147B, s12;
	[sflag:s16] =	ssyncadd.s32 $0xFFFFE000  }
0xf1: {  	_ =	swait.ge [sflag:s19], $0x2000  }
0xf2: {  	s12 =	sshrl.u32 @!p1 s12, $0x11;
	[sflag:s19] =	ssyncset.done $0x0  }
0xf3: {  	s21 =	simm.s32 $0xEE40;
	s12 =	smul.u32 @!p1 $0xC8, s12;
	[sflag:s19] =	ssyncadd.s32 $0xFFFFE000  }
0xf4: {  	[hbm4b:s10+s30] =	stream.strided.scatter [tilespmem:s21], [sflag:$0xA], $0x2000, s20, s30, $0x38;
	[tilespmem:$0x14E40] =	vst v63  }
0xf5: {  	s22 =	simm.s32 $0xA;
	s0 =	ssub.s32 @!p1 s0, s12  }
0xf6: {  	_ =	swait.ge [sflag:s22], $0x2000;
	s0 =	sshll.u32 @!p1 s0, $0x6  }
0xf7: {  	[sflag:s22] =	ssyncset.done $0x0;
	s0 =	sand.u32 @!p1 $0x3FC0, s0  }
0xf8: {  	s10 =	simm.s32 @!p1 $0xEE40;
	[sflag:s22] =	ssyncadd.s32 $0xFFFFE000;
	s0 =	sadd.s32 @!p1 s0, s1  }
0xf9: {  	[tilespmem:s10], [sflag:$0xD] =	stream.linear.gather @!p1 [spmem:s0], $0x2000, $0x38;
	[tilespmem:$0x14E40] =	vst v63  }
0xfa: {  	_ =	swait.ge @!p1 [sflag:s3], $0x2000  }
0xfb: {  	[sflag:s3] =	ssyncset.done @!p1 $0x0  }
0xfc: {  	s0 =	sadd.s32 @!p1 $0x280, s11;
	[sflag:s3] =	ssyncadd.s32 @!p1 $0xFFFFE000  }
0xfd: {  	[tilespmem:s10], [sflag:$0x2] =	stream.indirect.gather.add.f32 @!p1 [hbm:s4], $0x40, s0, s13, $0xb8;
	[tilespmem:$0x14E40] =	vst v63  }
0xfe: {  	s0 =	sadd.s32 @!p1 $0x6680, s11  }
0xff: {  	[tilespmem:s10], [sflag:$0x6] =	stream.indirect.gather.add.f32 @!p1 [hbm:s5], $0x40, s0, s13, $0xb8;
	[tilespmem:$0x14E40] =	vst v63  }
0x100: {  	s0 =	sand.u32 @!p1 $0xFFF8, s18  }
0x101: {  	s23 =	simm.s32 $0x3;
	s0 =	sshrl.u32 @!p1 s0, $0x3  }
0x102: {  	_ =	swait.ge [sflag:s23], $0x2000;
	s0 =	smul.u32 @!p1 $0x147B, s0  }
0x103: {  	[sflag:s23] =	ssyncset.done $0x0  }
0x104: {  	[sflag:s23] =	ssyncadd.s32 $0xFFFFE000;
	s0 =	sshrl.u32 @!p1 s0, $0x11  }
0x105: {  	_ =	swait.ge [sflag:s6], $0x2000;
	s0 =	smul.u32 @!p1 $0xC8, s0  }
0x106: {  	[sflag:s6] =	ssyncset.done $0x0  }
0x107: {  	s24 =	simm.s32 $0x10E40;
	[sflag:s6] =	ssyncadd.s32 $0xFFFFE000;
	s0 =	ssub.s32 @!p1 s18, s0  }
0x108: {  	[hbm4b:s2+s30] =	stream.strided.scatter [tilespmem:s24], [sflag:$0xB], $0x2000, s20, s30, $0x38;
	[tilespmem:$0x14E40] =	vst v63  }
0x109: {  	s0 =	sshll.u32 @!p1 s0, $0x6;
	_ =	swait.ge [sflag:s7], $0x2000  }
0x10a: {  	s0 =	sand.u32 @!p1 $0x3FC0, s0;
	[sflag:s7] =	ssyncset.done $0x0  }
0x10b: {  	s2 =	simm.s32 @!p1 $0x10E40;
	s0 =	sadd.s32 @!p1 s0, s1;
	[sflag:s7] =	ssyncadd.s32 $0xFFFFE000  }
0x10c: {  	[tilespmem:s2], [sflag:$0xD] =	stream.linear.gather @!p1 [spmem:s0], $0x2000, $0x38;
	[tilespmem:$0x14E40] =	vst v63  }
0x10d: {  	_ =	swait.ge @!p1 [sflag:s3], $0x2000  }
0x10e: {  	[sflag:s3] =	ssyncset.done @!p1 $0x0  }
0x10f: {  	s0 =	sadd.s32 @!p1 $0x300, s11;
	[sflag:s3] =	ssyncadd.s32 @!p1 $0xFFFFE000  }
0x110: {  	[tilespmem:s2], [sflag:$0x3] =	stream.indirect.gather.add.f32 @!p1 [hbm:s4], $0x40, s0, s13, $0xb8;
	[tilespmem:$0x14E40] =	vst v63  }
0x111: {  	s0 =	sadd.s32 @!p1 $0x6700, s11  }
0x112: {  	[tilespmem:s2], [sflag:$0x7] =	stream.indirect.gather.add.f32 @!p1 [hbm:s5], $0x40, s0, s13, $0xb8;
	[tilespmem:$0x14E40] =	vst v63  }
0x113: {  	_ =	swait.ge [sflag:s8], $0x2000  }
0x114: {  	[sflag:s8] =	ssyncset.done $0x0  }
0x115: {  	[sflag:s8] =	ssyncadd.s32 $0xFFFFE000  }
0x116: {  	_ =	swait.ge [sflag:s9], $0x2000  }
0x117: {  	[sflag:s9] =	ssyncset.done $0x0  }
0x118: {  	s28 =	simm.s32 $0xC;
	[sflag:s9] =	ssyncadd.s32 $0xFFFFE000  }
0x119: {  	[hbm4b:s17+s30] =	stream.strided.scatter [tilespmem:s26], [sflag:$0xC], $0x2000, s20, s30, $0x38;
	[tilespmem:$0x14E40] =	vst v63  }
0x11a: {  	_ =	swait.ge [sflag:s28], $0x2000  }
0x11b: {  	s29 =	rddreg [dreg:$0x10]  }
0x11c: {  	s31 =	rddreg [dreg:$0x9];
	s3 =	sadd.s32 $0x1, s29  }
0x11d: {  	p1 =	sne.s32 s3, s31  }
.Ltmp1:
0x11e: {  	_ = 	snop;
	(pc) =	sbr.rel @p1 .LBB2_1-.Ltmp1, $3  }
0x11f: {  	_ =	sdelay $0x1  }
0x120: {  	[sflag:s28] =	ssyncset.done $0x0  }
0x121: {  	[sflag:s28] =	ssyncadd.s32 $0xFFFFE000  }
0x122: {  	_ =	sfence.sel $0x180000  }
0x123: {  	[bflag:$0x0] =	sbarrier.arrive $0xFFFF  }
0x124: {  	_ =	strace $0x90000047  }
0x125: {  	[bflag:$0x2] =	sbarrier.arrive $0xFFFF  }
0x126: {  	s0 =	rddreg [dreg:$0x3]  }
0x127: {  	s0 =	sadd.s32 @!p0 $0x100000, s0  }
0x128: {  	[sflag:s0] =	ssyncadd.tile.s32 @!p0 $0x1;
	_ =	shalt  }
.Lfunc_end2:
_tile_overlayer_lowered:
.L_overlay_start_2:
0x129: {  	(tag) =	ssettag $0x2  }
0x12a: {  	s0 =	rddreg [dreg:$0x0];
	s2 =	stileid.u32  }
0x12b: {  	s1 =	rddreg [dreg:$0x1];
	p0 =	sne.s32 s2, $0x0  }
0x12c: {  	s3 =	rddreg [dreg:$0x2];
	[bflag:$0x3] =	sbarrier.arrive $0xFFFF;
	s2 =	simm.s32 @!p0 $0x1C0D  }
0x12d: {  	[timem:s3], [sflag:s2] =	dma.local @!p0 [hbm:s0], s1  }
0x12e: {  	s0 =	simm.s32 @!p0 $0xD  }
0x12f: {  	_ =	swait.ge @!p0 [sflag:s0], s1  }
0x130: {  	s1 =	ssub.s32 @!p0 $0x0, s1;
	[sflag:s0] =	ssyncset.done @!p0 $0x0  }
0x131: {  	[sflag:s0] =	ssyncadd.s32 @!p0 s1  }
0x132: {  	[bflag:$0x3] =	sbarrier.arrive $0xFFFF  }
0x133: {  	_ =	shalt  }

// kernel: sparse-core-data-format-call.cloned.1.call-start
scs
called_computation_lowered:
.L_overlay_start_0:
0x0: {  	s2 =	sld [smem:$0x3FD9]  }
0x1: {  	s3 =	sld [smem:$0x3FFE];
	_ =	sdelay $0x1  }
0x2: {  	s1 =	srdreg.scid  }
0x3: {  	s0 =	sand.u32 $0x1, s1  }
0x4: {  	s18 =	sshll.u32 s0, $0xA;
	s2 =	sadd.s32 s3, s2  }
0x5: {  	s2 =	sadd.s32 s2, s18  }
0x6: {  	[smem:$0x3FC3] =	sst s2  }
0x7: {  	_ = 	snop  }
0x8: {  	s2 =	sld [smem:$0x3FD0];
	(tm) =	ssettm $0x1  }
0x9: {  	s19 =	sld [smem:$0x3FFB];
	_ =	sdelay $0x3  }
0xa: {  	_ =	strace s19  }
0xb: {  	s3 =	sld [smem:$0x3FFC];
	_ =	sdelay $0x3  }
0xc: {  	_ =	strace s3  }
0xd: {  	s3 =	sld [smem:$0x3FFD];
	_ =	sdelay $0x3  }
0xe: {  	_ =	strace s3  }
0xf: {  	_ =	strace $0x8FFFFFFF  }
0x10: {  	s20 =	sld [smem:$0x3FDB];
	_ =	sdelay $0x1  }
0x11: {  	s4 =	simm.s32 $_scs_section_size  }
0x12: {  	s5 =	simm.s32 $_size__tile_overlayer_lowered;
	s6 =	simm.s32 $_tile_overlayer_lowered  }
0x13: {  	s23 =	simm.s32 $0x1BFF;
	s22 =	sshll.u32 s6, $0x1;
	s3 =	sadd.s32 s4, s20  }
0x14: {  	s7 =	simm.s32 $0x0;
	s21 =	sshll.u32 s5, $0x1;
	s5 =	sadd.s32 s22, s3  }
0x15: {  	[timem:s7], [sflag:s23] =	dma.local [hbm:s5], s21  }
0x16: {  	_ =	swait.ge [sflag:s23], s21  }
0x17: {  	s4 =	ssub.s32 $0x0, s21;
	[sflag:s23] =	ssyncset.done $0x0  }
0x18: {  	[sflag:s23] =	ssyncadd.s32 s4;
	_ =	sdelay $0x1  }
0x19: {  	s24 =	simm.s32 $0x1B8B  }
0x1a: {  	_ =	swait.ge [sflag:s24], $0x1  }
0x1b: {  	[sflag:s24] =	ssyncset.done $0x0  }
0x1c: {  	s26 =	simm.s32 $0x1B8E;
	s25 =	sld [smem:$0x3FFE];
	[sflag:s24] =	ssyncadd.s32 $0xFFFFFFFF  }
0x1d: {  	s27 =	simm.s32 $execute0_lowered;
	[smem:$0x3FD2] =	sst s26  }
0x1e: {  	s5 =	sshll.u32 s27, $0x1;
	_ =	strace $0x80000049;
	[dreg:$0x1] =	wrdreg $0xFFFFFFFF  }
0x1f: {  	s28 =	simm.s32 $_size_execute0_lowered;
	s3 =	sadd.s32 s3, s5;
	[dreg:$0x0] =	wrdreg $0x0  }
0x20: {  	s5 =	sshll.u32 s28, $0x1;
	[dreg:$0x2] =	wrdreg s3  }
0x21: {  	[dreg:$0x3] =	wrdreg s5  }
0x22: {  	[dreg:$0x4] =	wrdreg $0xC0  }
0x23: {  	_ =	task [dreg:s7], $0x5FFFF  }
0x24: {  	[dreg:$0x1] =	wrdreg $0xFFFFFFFF  }
0x25: {  	[dreg:$0x0] =	wrdreg $0x60  }
0x26: {  	[dreg:$0x2] =	wrdreg s25  }
0x27: {  	[dreg:$0x3] =	wrdreg s2  }
0x28: {  	[dreg:$0x4] =	wrdreg $0x9  }
0x29: {  	_ =	task.clear_ibuf [dreg:s7], $0x5FFFF;
	_ =	strace $0x90000049  }
0x2a: {  	s29 =	simm.s32 $0x9;
	_ =	strace $0x8000004B  }
0x2b: {  	_ =	swait.ge [sflag:s29], $0x1  }
0x2c: {  	[sflag:s29] =	ssyncadd.s32 $0xFFFFFFFF  }
0x2d: {  	_ =	strace $0x9000004B  }
0x2e: {  	_ =	sfence  }
0x2f: {  	s30 =	sld [smem:$0x0];
	_ =	sdelay $0x2  }
0x30: {  	s31 =	sshll.u32 s1, $0xD;
	s1 =	sshrl.u32 s1, $0x2  }
0x31: {  	s3 =	sand.u32 $0x4000, s31;
	s1 =	sadd.s32 s1, s30  }
0x32: {  	s0 =	sor.u32 s3, s0;
	s1 =	sshll.u32 s1, $0x11  }
0x33: {  	s0 =	sor.u32 s1, s0  }
0x34: {  	s0 =	sadd.s32 $0x8F2B, s0  }
0x35: {  	[sflag:s0] =	ssyncadd.remote.s32 $0x1  }
0x36: {  	_ =	sfence.sel $0xFFFF  }
0x37: {  	[dreg:$0x0] =	wrdreg $0xFFFFFFFF;
	(pc) =	sbr.abs _section_cstart, $3  }
0x38: {  	[dreg:$0x1] =	wrdreg $0xFFFFFFFF  }
0x39: {  	_ =	task.clear_ibuf [dreg:s7], $0x2FFFF;
	_ =	strace $0x9FFFFFFF  }
0x3a: {  	(tm) =	ssettm $0x7FFFFFFF  }
0x3b: {  	_ =	shalt  }
tec
execute0_lowered:
.L_overlay_start_1:
0x0: {  	(tag) =	ssettag $0x1  }
0x1: {  	s0 =	srdreg.scid  }
0x2: {  	s1 =	sshll.u32 s0, $0x4  }
0x3: {  	s0 =	stileid.u32;
	s1 =	sand.u32 $0x10, s1  }
0x4: {  	s1 =	sor.u32 s0, s1  }
0x5: {  	s6 =	rddreg [dreg:$0x0];
	s4 =	simm.s32 $0x1;
	s2 =	sshll.u32 s1, $0x7  }
0x6: {  	s7 =	simm.s32 $0x2;
	s12 =	simm.s32 $0x0;
	s1 =	ssub.s32 $0x1000, s2  }
0x7: {  	s8 =	simm.s32 $0x8000;
	s13 =	simm.s32 $0x0;
	s3 =	sand.u32 $0xF80, s1  }
0x8: {  	s9 =	simm.s32 $0x0;
	s5 =	sshrl.u32 s1, $0xC;
	p0 =	sne.s32 s3, $0x0  }
.Ltmp0:
0x9: {  	s1 =	rddreg [dreg:$0x2];
	s4 =	simm.s32 @!p0 $0x0;
	(pc) =	sbr.rel .LBB1_1-.Ltmp0, $4  }
0xa: {  	s11 =	simm.s32 $0x0;
	s3 =	rddreg [dreg:$0x1];
	s5 =	sadd.s32 s4, s5  }
0xb: {  	_ =	strace $0x8000004A;
	s4 =	simm.s32 $0x1;
	s5 =	smul.u32 $0xC8, s5  }
0xc: {  	s6 =	sadd.s32 $0xDDE00, s6;
	s10 =	smov.u32 s2;
	[sflag:s4] =	ssyncpa.u1 $0x0  }
0xd: {  	p0 =	por $0x0, $0x0;
	[sflag:s7] =	ssyncpa.u1 $0x0;
	s7 =	sor.u32 $0x1, s5  }
.LBB1_4:
0xe: {  	s16 =	sshll.u32 s13, $0x3;
	s17 =	sand.u32 $0x78, s13  }
0xf: {  	s30 =	sand.u32 $0x7E00, s13;
	s12 =	sshll.u32 s12, $0xF;
	s16 =	sand.u32 $0xC00, s16  }
0x10: {  	[tilespmem:s15+$0x810 ss:$0x81] =	vst.msk $0xffff, v2;
	s31 =	sand.u32 $0x7, s13;
	s16 =	sor.u32 s17, s16;
	s17 =	sadd.s32 s3, s30  }
0x11: {  	[tilespmem:s15+$0x1020 ss:$0x81] =	vst.msk $0xffff, v0;
	s13 =	sshll.u32 s31, $0x12;
	s12 =	sadd.s32 s12, s17;
	s16 =	sshrl.u32 s16, $0x3  }
0x12: {  	[tilespmem:s15+$0x0 ss:$0x81] =	vst.msk $0xffff, v1;
	s13 =	sor.u32 $0x400, s13;
	s12 =	sadd.s32 s16, s12  }
0x13: {  	[hbm4b:s12+s13] =	stream.strided.scatter [tilespmem:s14], [sflag:$0x2], $0x2000, s8, s13, $0x20;
	[tilespmem:$0x8080] =	vst v63  }
.LBB1_5:
0x14: {  	s14 =	sadd.s32 $0x1, s9  }
0x15: {  	s12 =	sadd.s32 $0x1000, s10;
	s16 =	smov.u32 s10;
	p2 =	sgt.s32 s14, $0xC7  }
0x16: {  	s16 =	smov.u32 @p2 s12  }
0x17: {  	s14 =	simm.s32 @p2 $0x0;
	p2 =	sgt.s32 s16, $0xFFF  }
0x18: {  	s16 =	smov.u32 @p2 s2;
	p2 =	sne.s32 s11, s7  }
.Ltmp1:
0x19: {  	p1 =	slt.u32 s11, $0x2;
	(pc) =	sbr.rel @!p2 .LBB1_6-.Ltmp1, $4  }
0x1a: {  	s15 =	simm.s32 @!p1 $0x2  }
0x1b: {  	s13 =	smov.u32 s10;
	p0 =	por !p0, !p0;
	_ =	swait.ge @!p1 [sflag:s15], $0x2000  }
0x1c: {  	s12 =	smov.u32 s9;
	[sflag:s15] =	ssyncset.done @!p1 $0x0;
	s9 =	smov.u32 s14  }
0x1d: {  	s11 =	sadd.s32 $0x1, s11;
	[sflag:s15] =	ssyncadd.s32 @!p1 $0xFFFFE000;
	s10 =	smov.u32 s16  }
.LBB1_1:
0x1e: {  	p1 =	sge.u32 s11, s5  }
0x1f: {  	s14 =	sand.u32 @!p1 $0x1FFFFFF, s9  }
0x20: {  	s15 =	smulhi.u32 @!p1 $0x147AE15, s14;
	_ =	sdelay $0x1  }
0x21: {  	s15 =	smul.u32 @!p1 $0xC8, s15  }
0x22: {  	s16 =	sxor.u32 @!p1 $0xFFFFFFFF, s11;
	s17 =	smul.u32 @!p1 $0xC80, s10  }
0x23: {  	s31 =	sadd.s32 $0xFFFFFFFF, s11;
	s16 =	sshll.u32 @!p1 s16, $0xD;
	s14 =	ssub.s32 @!p1 s14, s15  }
0x24: {  	s15 =	sand.u32 @!p1 $0x2000, s16;
	s16 =	sadd.s32 @!p1 s6, s17;
	s14 =	sshll.u32 @!p1 s14, $0x4  }
0x25: {  	s17 =	simm.s32 @!p1 $0x6400;
	s14 =	sadd.s32 @!p1 s14, s16;
	s16 =	simm.s32 @!p1 $0x40  }
0x26: {  	[tilespmem:s15], [sflag:$0x1] =	stream.strided.gather @!p1 [hbm4b:s14+s16], $0x2000, s17, s16, $0x38;
	[tilespmem:$0x8080] =	vst v63  }
0x27: {  	p1 =	sge.u32 s31, s5  }
.Ltmp2:
0x28: {  	_ = 	snop;
	(pc) =	sbr.rel @p1 .LBB1_5-.Ltmp2, $1  }
0x29: {  	_ =	sdelay $0x3  }
0x2a: {  	s14 =	simm.s32 $0x1  }
0x2b: {  	_ =	swait.ge [sflag:s4], $0x2000;
	s14 =	simm.s32 @!p0 $0x0  }
0x2c: {  	[sflag:s4] =	ssyncset.done $0x0;
	s15 =	sshll.u32 s14, $0xD  }
0x2d: {  	[sflag:s4] =	ssyncadd.s32 $0xFFFFE000;
	s18 =	sor.u32 $0x20, s15  }
0x2e: {  	s14 =	smul.u32 $0x8100, s14;
	v3 =	vld [tilespmem:s18+$0x10]  }
0x2f: {  	s30 =	sand.u32 $0x1, s11;
	v2 =	vld [tilespmem:s18+$0xFFFFFFF0]  }
0x30: {  	s15 =	smul.u32 $0x8100, s30;
	s14 =	sshrl.u32 s14, $0x2;
	v0 =	vld [tilespmem:s18+$0x0]  }
0x31: {  	v1 =	vld [tilespmem:s18+$0xFFFFFFE0];
	s16 =	sor.u32 $0x4000, s14  }
0x32: {  	s31 =	sshrl.u32 s15, $0x2;
	s15 =	sadd.s32 $0x0, s16  }
0x33: {  	s17 =	simm.s32 $0x4;
	s18 =	sadd.s32 $0x40, s18;
	s14 =	sor.u32 $0x4000, s31;
	[tilespmem:s15+$0x1830 ss:$0x81] =	vst.msk $0xffff, v3  }
.LBB1_3:
0x34: {  	v3 =	vld [tilespmem:s18+$0x10];
	p1 =	sne.s32 s17, $0x1FC;
	[tilespmem:s15+$0x810 ss:$0x81] =	vst.msk $0xffff, v2;
	s19 =	smov.u32 s17;
	s17 =	sadd.s32 $0x4, s17  }
.Ltmp3:
0x35: {  	v2 =	vld [tilespmem:s18+$0xFFFFFFF0];
	[tilespmem:s15+$0x1020 ss:$0x81] =	vst.msk $0xffff, v0;
	(pc) =	sbr.rel @p1 .LBB1_3-.Ltmp3, $4  }
0x36: {  	v0 =	vld [tilespmem:s18+$0x0];
	[tilespmem:s15+$0x0 ss:$0x81] =	vst.msk $0xffff, v1  }
0x37: {  	s15 =	sshra.s32 s19, $0x2;
	v1 =	vld [tilespmem:s18+$0xFFFFFFE0]  }
0x38: {  	s15 =	sadd.s32 s15, s16  }
0x39: {  	s18 =	sadd.s32 $0x40, s18;
	[tilespmem:s15+$0x1830 ss:$0x81] =	vst.msk $0xffff, v3  }
.Ltmp4:
0x3a: {  	_ = 	snop;
	(pc) =	sbr.rel .LBB1_4-.Ltmp4, $1  }
0x3b: {  	_ =	sdelay $0x3  }
.LBB1_6:
0x3c: {  	_ =	sfence.sel $0x180000  }
0x3d: {  	s2 =	simm.s32 $0x1;
	[bflag:$0x0] =	sbarrier.arrive $0xFFFF  }
0x3e: {  	s31 =	simm.s32 $0x2;
	[sflag:s2] =	ssyncpa.u1 $0x1  }
0x3f: {  	[sflag:s31] =	ssyncpa.u1 $0x1  }
0x40: {  	p0 =	sne.s32 s0, $0x0;
	_ =	strace $0x9000004A  }
0x41: {  	s0 =	sadd.s32 @!p0 $0x100000, s1;
	[bflag:$0x2] =	sbarrier.arrive $0xFFFF  }
0x42: {  	[sflag:s0] =	ssyncadd.tile.s32 @!p0 $0x1;
	_ =	shalt  }
.Lfunc_end1:
_tile_overlayer_lowered:
.L_overlay_start_2:
0x43: {  	(tag) =	ssettag $0x2  }
0x44: {  	s0 =	rddreg [dreg:$0x0];
	s2 =	stileid.u32  }
0x45: {  	s1 =	rddreg [dreg:$0x1];
	p0 =	sne.s32 s2, $0x0  }
0x46: {  	s3 =	rddreg [dreg:$0x2];
	[bflag:$0x3] =	sbarrier.arrive $0xFFFF;
	s2 =	simm.s32 @!p0 $0x1C01  }
0x47: {  	[timem:s3], [sflag:s2] =	dma.local @!p0 [hbm:s0], s1  }
0x48: {  	s0 =	simm.s32 @!p0 $0x1  }
0x49: {  	_ =	swait.ge @!p0 [sflag:s0], s1  }
0x4a: {  	s1 =	ssub.s32 @!p0 $0x0, s1;
	[sflag:s0] =	ssyncset.done @!p0 $0x0  }
0x4b: {  	[sflag:s0] =	ssyncadd.s32 @!p0 s1  }
0x4c: {  	[bflag:$0x3] =	sbarrier.arrive $0xFFFF  }
0x4d: {  	_ =	shalt  }

</sc_bundles>
